<compile_context>
chip_gen: v7x
topology: tpu7x:2x2x1
jax: 0.10.2.dev20260603
libtpu: 0.0.44.dev20260713+nightly
codegen_flags: <defaults>
</compile_context>

<pallas_src>
import functools

import jax
import jax.numpy as jnp
from jax import lax
from jax.experimental import pallas as pl
from jax.experimental.pallas import tpu as pltpu
from jax.experimental.pallas import tpu_sc as plsc


def _pack_tc(a2d, b2d):

    def body(a_ref, b_ref, o_ref):
        def rs(v):
            return jnp.where(v == 0.0, jnp.zeros_like(v), lax.rsqrt(v))

        def bf16bits(v):
            b = lax.bitcast_convert_type(v, jnp.int32)
            return (b + 0x7FFF + ((b >> 16) & 1)) >> 16

        ra = bf16bits(rs(a_ref[...]))
        rb = bf16bits(rs(b_ref[...]))
        o_ref[...] = ra | (rb << 16)

    return pl.pallas_call(
        body,
        out_shape=jax.ShapeDtypeStruct(a2d.shape, jnp.int32),
    )(a2d, b2d)


_NC = 2
_NS = 16
_NW = _NC * _NS

def _sc_gather_mul(packed, edge_index, chunk, nbuf, unroll):
    n_edges = edge_index.shape[1]
    tot_chunks = n_edges // chunk
    n_groups = chunk // 16
    tbl_n = packed.shape[0]
    n_iters = -(-tot_chunks // _NW)
    n_outer = -(-n_iters // nbuf)
    mesh = plsc.VectorSubcoreMesh(core_axis_name="c", subcore_axis_name="s")

    @functools.partial(
        pl.kernel,
        mesh=mesh,
        out_type=jax.ShapeDtypeStruct((n_edges,), jnp.float32),
        scratch_types=[
            pltpu.VMEM((tbl_n,), jnp.int32),
            pltpu.VMEM((nbuf, 2, chunk), jnp.int32),
            pltpu.VMEM((nbuf, chunk), jnp.float32),
        ]
        + [pltpu.SemaphoreType.DMA] * (2 * nbuf),
        compiler_params=pltpu.CompilerParams(needs_layout_passes=False),
    )
    def k(tbl_hbm, ei_hbm, out_hbm, tbl, ei_v, ob, *sems):
        wid = lax.axis_index("s") * _NC + lax.axis_index("c")
        s_in = sems[:nbuf]
        s_out = sems[nbuf:]

        def in_slice(c):
            return ei_hbm.at[:, pl.ds(pl.multiple_of(c * chunk, 128), chunk)]

        def issue_in(c, b):
            pltpu.async_copy(in_slice(c), ei_v.at[b], s_in[b])

        def wait_in(b):
            pltpu.make_async_copy(in_slice(0), ei_v.at[b], s_in[b]).wait()

        def out_slice(c):
            return out_hbm.at[pl.ds(pl.multiple_of(c * chunk, 128), chunk)]

        def issue_out(c, b):
            pltpu.async_copy(ob.at[b], out_slice(c), s_out[b])

        def wait_out(b):
            pltpu.make_async_copy(ob.at[b], out_slice(0), s_out[b]).wait()

        for b in range(nbuf):
            issue_in(wid + b * _NW, b)
        pltpu.sync_copy(tbl_hbm, tbl)

        def outer(t, carry):
            for b in range(nbuf):
                i = t * nbuf + b
                c = wid + i * _NW

                @pl.when(c < tot_chunks)
                def _():
                    wait_in(b)

                    @pl.when(i >= nbuf)
                    def _():
                        wait_out(b)

                    @plsc.parallel_loop(0, n_groups, unroll=unroll)
                    def grp(j):
                        sl = pl.ds(pl.multiple_of(j * 16, 16), 16)
                        gs = plsc.load_gather(tbl, [ei_v[b, 0, sl]])
                        gd = plsc.load_gather(tbl, [ei_v[b, 1, sl]])
                        f_out = plsc.bitcast(gs << 16, jnp.float32)
                        f_in = plsc.bitcast(gd & -0x10000, jnp.float32)
                        ob[b, sl] = f_out * f_in

                    issue_out(c, b)

                    @pl.when(c + nbuf * _NW < tot_chunks)
                    def _():
                        issue_in(c + nbuf * _NW, b)

            return carry

        lax.fori_loop(0, n_outer, outer, 0)
        for b in range(nbuf):
            wait_out(b)

    return k(packed, edge_index)


def kernel(out_degree, in_degree, edge_index):
    n = out_degree.shape[0]
    pad = (-n) % 128
    a2d = jnp.pad(out_degree, (0, pad)).reshape(-1, 128)
    b2d = jnp.pad(in_degree, (0, pad)).reshape(-1, 128)
    packed = _pack_tc(a2d, b2d).reshape(-1)
    return _sc_gather_mul(packed, edge_index, chunk=5120, nbuf=2, unroll=16)

# --- scband reference (transcript-rebuilt; emitter-appended) ---
"""Pipeline reference for scband-gcnnormalization-1357209666172 (READ-ONLY COPY).

The authoritative reference and input builder live on the scoring server;
editing this copy changes nothing except your own understanding.
"""

import jax, jax.numpy as jnp
import numpy as np

N_NODES = 100000
N_EDGES = 6400000


def _reciprocal_no_nan(x):
    return jnp.where(x == 0.0, jnp.zeros_like(x), 1.0 / x)


def setup_inputs(seed: int = 0) -> dict:
    key = jax.random.key(seed)
    k_e = jax.random.fold_in(key, 0)
    edge_index = jax.random.randint(k_e, (2, N_EDGES), 0, N_NODES)
    src = edge_index[0]
    dst = edge_index[1]
    ones = jnp.ones((N_EDGES,), dtype=jnp.float32)
    # node features 'out_degree' / 'in_degree' as precomputed on the GraphTensor
    out_degree = jax.ops.segment_sum(ones, src, num_segments=N_NODES)
    in_degree = jax.ops.segment_sum(ones, dst, num_segments=N_NODES)
    return {"out_degree": out_degree, "in_degree": in_degree, "edge_index": edge_index}


def reference(out_degree, in_degree, edge_index):
    # tfgnn.broadcast_node_to_edges(SOURCE, 'out_degree') -> gather by src
    src = edge_index[0]
    dst = edge_index[1]
    out_deg_e = jnp.take(out_degree, src, axis=0)
    # tfgnn.broadcast_node_to_edges(TARGET, 'in_degree') -> gather by dst
    in_deg_e = jnp.take(in_degree, dst, axis=0)
    prod = (in_deg_e * out_deg_e).astype(jnp.float32)
    gcn_norm = jnp.sqrt(_reciprocal_no_nan(prod))
    return gcn_norm

if __name__ == "__main__":
    import jax
    _d = setup_inputs()
    print(jax.jit(kernel)(*tuple(_d.values())))

</pallas_src>

<mosaic_0001>
#map = affine_map<(d0, d1) -> (0)>
#map1 = affine_map<(d0, d1) -> (0, 0)>
module attributes {stable_mosaic.version = 14 : i64} {
  func.func @k(%arg0: i32, %arg1: i32, %arg2: memref<100096xi32, #tpu.memory_space<hbm>>, %arg3: memref<2x6400000xi32, #tpu.memory_space<hbm>>, %arg4: memref<6400000xf32, #tpu.memory_space<hbm>>, %arg5: memref<100096xi32, #tpu.memory_space<vmem>>, %arg6: memref<2x2x5120xi32, #tpu.memory_space<vmem>>, %arg7: memref<2x5120xf32, #tpu.memory_space<vmem>>, %arg8: memref<!tpu.dma_semaphore, #tpu.memory_space<semaphore_mem>>, %arg9: memref<!tpu.dma_semaphore, #tpu.memory_space<semaphore_mem>>, %arg10: memref<!tpu.dma_semaphore, #tpu.memory_space<semaphore_mem>>, %arg11: memref<!tpu.dma_semaphore, #tpu.memory_space<semaphore_mem>>) attributes {dimension_semantics = [#tpu.dimension_semantics<core_parallel>, #tpu.dimension_semantics<subcore_parallel>], iteration_bounds = array<i64: 2, 16>, scalar_prefetch = 0 : i64, scratch_operands = 7 : i64, tpu.core_type = #tpu.core_type<sc_vector_subcore>, window_params = [{transform_indices = #map}, {transform_indices = #map1}, {transform_indices = #map}]} {
    %mul3A = arith.constant 2 : i32
    %mul3A_0 = arith.muli %arg1, %mul3A : i32
    %add3A = arith.addi %mul3A_0, %arg0 : i32
    %add3A_1 = arith.constant 0 : i32
    %add3A_2 = arith.addi %add3A, %add3A_1 : i32
    %mul3A_3 = arith.constant 5120 : i32
    %mul3A_4 = arith.muli %add3A_2, %mul3A_3 : i32
    %multiple_of3A = tpu.assume_multiple %mul3A_4, 128 : i32
    %dma_start3A = arith.constant 0 : i32
    %dma_start3A_5 = arith.constant 0 : i32
    %dma_start3A_6 = arith.constant 0 : i32
    %dma_start3A_7 = tpu.memref_slice %arg6[%dma_start3A, %dma_start3A_5, %dma_start3A_6] : memref<2x2x5120xi32, #tpu.memory_space<vmem>> -> memref<1x2x5120xi32, #tpu.memory_space<vmem>>
    %dma_start3A_8 = tpu.memref_squeeze %dma_start3A_7 : memref<1x2x5120xi32, #tpu.memory_space<vmem>> -> memref<2x5120xi32, #tpu.memory_space<vmem>>
    %dma_start3A_9 = arith.constant 0 : i32
    %dma_start3A_10 = tpu.memref_slice %arg3[%dma_start3A_9, %multiple_of3A] : memref<2x6400000xi32, #tpu.memory_space<hbm>> -> memref<2x5120xi32, #tpu.memory_space<hbm>>
    %dma_start3A_11 = arith.constant 0 : i32
    %dma_start3A_12 = arith.constant 0 : i32
    %dma_start3A_13 = tpu.memref_slice %arg6[%dma_start3A, %dma_start3A_11, %dma_start3A_12] : memref<2x2x5120xi32, #tpu.memory_space<vmem>> -> memref<1x2x5120xi32, #tpu.memory_space<vmem>>
    %dma_start3A_14 = tpu.memref_squeeze %dma_start3A_13 : memref<1x2x5120xi32, #tpu.memory_space<vmem>> -> memref<2x5120xi32, #tpu.memory_space<vmem>>
    %dma_start3A_15 = arith.constant 0 : i32
    %dma_start3A_16 = tpu.memref_slice %arg3[%dma_start3A_15, %multiple_of3A] : memref<2x6400000xi32, #tpu.memory_space<hbm>> -> memref<2x5120xi32, #tpu.memory_space<hbm>>
    tpu.enqueue_dma source(%dma_start3A_16 : memref<2x5120xi32, #tpu.memory_space<hbm>>) target(%dma_start3A_14 : memref<2x5120xi32, #tpu.memory_space<vmem>>) target_semaphore(%arg8 : memref<!tpu.dma_semaphore, #tpu.memory_space<semaphore_mem>>)
    %add3A_17 = arith.constant 32 : i32
    %add3A_18 = arith.addi %add3A, %add3A_17 : i32
    %mul3A_19 = arith.constant 5120 : i32
    %mul3A_20 = arith.muli %add3A_18, %mul3A_19 : i32
    %multiple_of3A_21 = tpu.assume_multiple %mul3A_20, 128 : i32
    %dma_start3A_22 = arith.constant 1 : i32
    %dma_start3A_23 = arith.constant 0 : i32
    %dma_start3A_24 = arith.constant 0 : i32
    %dma_start3A_25 = tpu.memref_slice %arg6[%dma_start3A_22, %dma_start3A_23, %dma_start3A_24] : memref<2x2x5120xi32, #tpu.memory_space<vmem>> -> memref<1x2x5120xi32, #tpu.memory_space<vmem>>
    %dma_start3A_26 = tpu.memref_squeeze %dma_start3A_25 : memref<1x2x5120xi32, #tpu.memory_space<vmem>> -> memref<2x5120xi32, #tpu.memory_space<vmem>>
    %dma_start3A_27 = arith.constant 0 : i32
    %dma_start3A_28 = tpu.memref_slice %arg3[%dma_start3A_27, %multiple_of3A_21] : memref<2x6400000xi32, #tpu.memory_space<hbm>> -> memref<2x5120xi32, #tpu.memory_space<hbm>>
    %dma_start3A_29 = arith.constant 0 : i32
    %dma_start3A_30 = arith.constant 0 : i32
    %dma_start3A_31 = tpu.memref_slice %arg6[%dma_start3A_22, %dma_start3A_29, %dma_start3A_30] : memref<2x2x5120xi32, #tpu.memory_space<vmem>> -> memref<1x2x5120xi32, #tpu.memory_space<vmem>>
    %dma_start3A_32 = tpu.memref_squeeze %dma_start3A_31 : memref<1x2x5120xi32, #tpu.memory_space<vmem>> -> memref<2x5120xi32, #tpu.memory_space<vmem>>
    %dma_start3A_33 = arith.constant 0 : i32
    %dma_start3A_34 = tpu.memref_slice %arg3[%dma_start3A_33, %multiple_of3A_21] : memref<2x6400000xi32, #tpu.memory_space<hbm>> -> memref<2x5120xi32, #tpu.memory_space<hbm>>
    tpu.enqueue_dma source(%dma_start3A_34 : memref<2x5120xi32, #tpu.memory_space<hbm>>) target(%dma_start3A_32 : memref<2x5120xi32, #tpu.memory_space<vmem>>) target_semaphore(%arg9 : memref<!tpu.dma_semaphore, #tpu.memory_space<semaphore_mem>>)
    "tpu.region"() ({
      %run_scoped3A = tpu.sem_alloc : memref<!tpu.dma_semaphore, #tpu.memory_space<semaphore_mem>>
      tpu.enqueue_dma source(%arg2 : memref<100096xi32, #tpu.memory_space<hbm>>) target(%arg5 : memref<100096xi32, #tpu.memory_space<vmem>>) target_semaphore(%run_scoped3A : memref<!tpu.dma_semaphore, #tpu.memory_space<semaphore_mem>>)
      tpu.wait_dma2 semaphore(%run_scoped3A : memref<!tpu.dma_semaphore, #tpu.memory_space<semaphore_mem>>) src(%arg2 : memref<100096xi32, #tpu.memory_space<hbm>>) dst(%arg5 : memref<100096xi32, #tpu.memory_space<vmem>>)
      tpu.yield
    }) : () -> ()
    %scan3A = arith.constant 0 : i32
    %scan3A_35 = arith.constant 0 : i32
    %scan3A_36 = arith.constant 20 : i32
    %scan3A_37 = arith.addi %scan3A_35, %scan3A_36 : i32
    %scan3A_38 = arith.constant 1 : i32
    scf.for %scan3A_61 = %scan3A_35 to %scan3A_37 step %scan3A_38  : i32 {
      %mul3A_62 = arith.constant 2 : i32
      %mul3A_63 = arith.muli %scan3A_61, %mul3A_62 : i32
      %add3A_64 = arith.constant 0 : i32
      %add3A_65 = arith.addi %mul3A_63, %add3A_64 : i32
      %mul3A_66 = arith.constant 32 : i32
      %mul3A_67 = arith.muli %add3A_65, %mul3A_66 : i32
      %add3A_68 = arith.addi %add3A, %mul3A_67 : i32
      %lt3A = arith.constant 1250 : i32
      %lt3A_69 = arith.cmpi slt, %add3A_68, %lt3A : i32
      %convert_element_type3A = arith.extui %lt3A_69 : i1 to i32
      %cond3A = arith.constant 0 : i32
      %cond3A_70 = arith.cmpi ne, %convert_element_type3A, %cond3A : i32
      scf.if %cond3A_70 {
        %multiple_of3A_83 = arith.constant 0 : i32
        %multiple_of3A_84 = tpu.assume_multiple %multiple_of3A_83, 128 : i32
        %dma_wait3A_85 = arith.constant 0 : i32
        %dma_wait3A_86 = arith.constant 0 : i32
        %dma_wait3A_87 = arith.constant 0 : i32
        %dma_wait3A_88 = tpu.memref_slice %arg6[%dma_wait3A_85, %dma_wait3A_86, %dma_wait3A_87] : memref<2x2x5120xi32, #tpu.memory_space<vmem>> -> memref<1x2x5120xi32, #tpu.memory_space<vmem>>
        %dma_wait3A_89 = tpu.memref_squeeze %dma_wait3A_88 : memref<1x2x5120xi32, #tpu.memory_space<vmem>> -> memref<2x5120xi32, #tpu.memory_space<vmem>>
        %dma_wait3A_90 = arith.constant 0 : i32
        %dma_wait3A_91 = tpu.memref_slice %arg3[%dma_wait3A_90, %multiple_of3A_84] : memref<2x6400000xi32, #tpu.memory_space<hbm>> -> memref<2x5120xi32, #tpu.memory_space<hbm>>
        %dma_wait3A_92 = arith.constant 0 : i32
        %dma_wait3A_93 = arith.constant 0 : i32
        %dma_wait3A_94 = tpu.memref_slice %arg6[%dma_wait3A_85, %dma_wait3A_92, %dma_wait3A_93] : memref<2x2x5120xi32, #tpu.memory_space<vmem>> -> memref<1x2x5120xi32, #tpu.memory_space<vmem>>
        %dma_wait3A_95 = tpu.memref_squeeze %dma_wait3A_94 : memref<1x2x5120xi32, #tpu.memory_space<vmem>> -> memref<2x5120xi32, #tpu.memory_space<vmem>>
        %dma_wait3A_96 = arith.constant 0 : i32
        %dma_wait3A_97 = tpu.memref_slice %arg3[%dma_wait3A_96, %multiple_of3A_84] : memref<2x6400000xi32, #tpu.memory_space<hbm>> -> memref<2x5120xi32, #tpu.memory_space<hbm>>
        tpu.wait_dma2 semaphore(%arg8 : memref<!tpu.dma_semaphore, #tpu.memory_space<semaphore_mem>>) src(%dma_wait3A_97 : memref<2x5120xi32, #tpu.memory_space<hbm>>) dst(%dma_wait3A_95 : memref<2x5120xi32, #tpu.memory_space<vmem>>)
        %ge3A = arith.constant 2 : i32
        %ge3A_98 = arith.cmpi sge, %add3A_65, %ge3A : i32
        %convert_element_type3A_99 = arith.extui %ge3A_98 : i1 to i32
        %cond3A_100 = arith.constant 0 : i32
        %cond3A_101 = arith.cmpi ne, %convert_element_type3A_99, %cond3A_100 : i32
        scf.if %cond3A_101 {
          %multiple_of3A_123 = arith.constant 0 : i32
          %multiple_of3A_124 = tpu.assume_multiple %multiple_of3A_123, 128 : i32
          %dma_wait3A_125 = arith.constant 0 : i32
          %dma_wait3A_126 = arith.constant 0 : i32
          %dma_wait3A_127 = tpu.memref_slice %arg7[%dma_wait3A_125, %dma_wait3A_126] : memref<2x5120xf32, #tpu.memory_space<vmem>> -> memref<1x5120xf32, #tpu.memory_space<vmem>>
          %dma_wait3A_128 = tpu.memref_squeeze %dma_wait3A_127 : memref<1x5120xf32, #tpu.memory_space<vmem>> -> memref<5120xf32, #tpu.memory_space<vmem>>
          %dma_wait3A_129 = tpu.memref_slice %arg4[%multiple_of3A_124] : memref<6400000xf32, #tpu.memory_space<hbm>> -> memref<5120xf32, #tpu.memory_space<hbm>>
          %dma_wait3A_130 = tpu.memref_slice %arg4[%multiple_of3A_124] : memref<6400000xf32, #tpu.memory_space<hbm>> -> memref<5120xf32, #tpu.memory_space<hbm>>
          %dma_wait3A_131 = arith.constant 0 : i32
          %dma_wait3A_132 = tpu.memref_slice %arg7[%dma_wait3A_125, %dma_wait3A_131] : memref<2x5120xf32, #tpu.memory_space<vmem>> -> memref<1x5120xf32, #tpu.memory_space<vmem>>
          %dma_wait3A_133 = tpu.memref_squeeze %dma_wait3A_132 : memref<1x5120xf32, #tpu.memory_space<vmem>> -> memref<5120xf32, #tpu.memory_space<vmem>>
          tpu.wait_dma2 semaphore(%arg10 : memref<!tpu.dma_semaphore, #tpu.memory_space<semaphore_mem>>) src(%dma_wait3A_133 : memref<5120xf32, #tpu.memory_space<vmem>>) dst(%dma_wait3A_130 : memref<5120xf32, #tpu.memory_space<hbm>>)
        } else {
        }
        %parallel_loop3A = arith.constant 0 : i32
        %parallel_loop3A_102 = arith.constant 320 : i32
        %parallel_loop3A_103 = arith.constant 1 : i32
        scf.for %parallel_loop3A_123 = %parallel_loop3A to %parallel_loop3A_102 step %parallel_loop3A_103  : i32 {
          %parallel_loop3A_124 = arith.constant 16 : i32
          %parallel_loop3A_125 = arith.muli %parallel_loop3A_123, %parallel_loop3A_124 : i32
          %parallel_loop3A_126 = tpu.assume_multiple %parallel_loop3A_125, 16 : i32
          %parallel_loop3A_127 = arith.constant 0 : i32
          %parallel_loop3A_128 = arith.constant 0 : i32
          %parallel_loop3A_129 = arith.index_cast %parallel_loop3A_127 : i32 to index
          %parallel_loop3A_130 = arith.index_cast %parallel_loop3A_128 : i32 to index
          %parallel_loop3A_131 = arith.index_cast %parallel_loop3A_126 : i32 to index
          %parallel_loop3A_132 = tpu.vector_load %arg6[%parallel_loop3A_129, %parallel_loop3A_130, %parallel_loop3A_131] {strides = array<i32>} : memref<2x2x5120xi32, #tpu.memory_space<vmem>>, vector<16xi32>,
          %parallel_loop3A_133 = tpu.vector_load_idx %arg5[%parallel_loop3A_132] : memref<100096xi32, #tpu.memory_space<vmem>>[vector<16xi32>], vector<16xi32>,
          %parallel_loop3A_134 = arith.constant 0 : i32
          %parallel_loop3A_135 = arith.constant 1 : i32
          %parallel_loop3A_136 = arith.index_cast %parallel_loop3A_134 : i32 to index
          %parallel_loop3A_137 = arith.index_cast %parallel_loop3A_135 : i32 to index
          %parallel_loop3A_138 = arith.index_cast %parallel_loop3A_126 : i32 to index
          %parallel_loop3A_139 = tpu.vector_load %arg6[%parallel_loop3A_136, %parallel_loop3A_137, %parallel_loop3A_138] {strides = array<i32>} : memref<2x2x5120xi32, #tpu.memory_space<vmem>>, vector<16xi32>,
          %parallel_loop3A_140 = tpu.vector_load_idx %arg5[%parallel_loop3A_139] : memref<100096xi32, #tpu.memory_space<vmem>>[vector<16xi32>], vector<16xi32>,
          %parallel_loop3A_141 = arith.constant 16 : i32
          %parallel_loop3A_142 = vector.broadcast %parallel_loop3A_141 : i32 to vector<16xi32>
          %parallel_loop3A_143 = arith.shli %parallel_loop3A_133, %parallel_loop3A_142 : vector<16xi32>
          %parallel_loop3A_144 = vector.bitcast %parallel_loop3A_143 : vector<16xi32> to vector<16xf32>
          %parallel_loop3A_145 = arith.constant -65536 : i32
          %parallel_loop3A_146 = vector.broadcast %parallel_loop3A_145 : i32 to vector<16xi32>
          %parallel_loop3A_147 = arith.andi %parallel_loop3A_140, %parallel_loop3A_146 : vector<16xi32>
          %parallel_loop3A_148 = vector.bitcast %parallel_loop3A_147 : vector<16xi32> to vector<16xf32>
          %parallel_loop3A_149 = arith.mulf %parallel_loop3A_144, %parallel_loop3A_148 : vector<16xf32>
          %parallel_loop3A_150 = arith.constant 0 : i32
          %parallel_loop3A_151 = arith.index_cast %parallel_loop3A_150 : i32 to index
          %parallel_loop3A_152 = arith.index_cast %parallel_loop3A_126 : i32 to index
          %parallel_loop3A_153 = tpu.vector_load %arg7[%parallel_loop3A_151, %parallel_loop3A_152] {strides = array<i32>} : memref<2x5120xf32, #tpu.memory_space<vmem>>, vector<16xf32>,
          tpu.vector_store %arg7[%parallel_loop3A_151, %parallel_loop3A_152], %parallel_loop3A_149 {strides = array<i32>} : memref<2x5120xf32, #tpu.memory_space<vmem>>, vector<16xf32>,
        } {sc.loop_unroll_factor = 16 : i64, sc.parallel_access}
        %mul3A_104 = arith.constant 5120 : i32
        %mul3A_105 = arith.muli %add3A_68, %mul3A_104 : i32
        %multiple_of3A_106 = tpu.assume_multiple %mul3A_105, 128 : i32
        %dma_start3A_107 = arith.constant 0 : i32
        %dma_start3A_108 = arith.constant 0 : i32
        %dma_start3A_109 = tpu.memref_slice %arg7[%dma_start3A_107, %dma_start3A_108] : memref<2x5120xf32, #tpu.memory_space<vmem>> -> memref<1x5120xf32, #tpu.memory_space<vmem>>
        %dma_start3A_110 = tpu.memref_squeeze %dma_start3A_109 : memref<1x5120xf32, #tpu.memory_space<vmem>> -> memref<5120xf32, #tpu.memory_space<vmem>>
        %dma_start3A_111 = tpu.memref_slice %arg4[%multiple_of3A_106] : memref<6400000xf32, #tpu.memory_space<hbm>> -> memref<5120xf32, #tpu.memory_space<hbm>>
        %dma_start3A_112 = tpu.memref_slice %arg4[%multiple_of3A_106] : memref<6400000xf32, #tpu.memory_space<hbm>> -> memref<5120xf32, #tpu.memory_space<hbm>>
        %dma_start3A_113 = arith.constant 0 : i32
        %dma_start3A_114 = tpu.memref_slice %arg7[%dma_start3A_107, %dma_start3A_113] : memref<2x5120xf32, #tpu.memory_space<vmem>> -> memref<1x5120xf32, #tpu.memory_space<vmem>>
        %dma_start3A_115 = tpu.memref_squeeze %dma_start3A_114 : memref<1x5120xf32, #tpu.memory_space<vmem>> -> memref<5120xf32, #tpu.memory_space<vmem>>
        tpu.enqueue_dma source(%dma_start3A_115 : memref<5120xf32, #tpu.memory_space<vmem>>) target(%dma_start3A_112 : memref<5120xf32, #tpu.memory_space<hbm>>) target_semaphore(%arg10 : memref<!tpu.dma_semaphore, #tpu.memory_space<semaphore_mem>>)
        %add3A_116 = arith.constant 64 : i32
        %add3A_117 = arith.addi %add3A_68, %add3A_116 : i32
        %lt3A_118 = arith.constant 1250 : i32
        %lt3A_119 = arith.cmpi slt, %add3A_117, %lt3A_118 : i32
        %convert_element_type3A_120 = arith.extui %lt3A_119 : i1 to i32
        %cond3A_121 = arith.constant 0 : i32
        %cond3A_122 = arith.cmpi ne, %convert_element_type3A_120, %cond3A_121 : i32
        scf.if %cond3A_122 {
          %add3A_123 = arith.constant 64 : i32
          %add3A_124 = arith.addi %add3A_68, %add3A_123 : i32
          %mul3A_125 = arith.constant 5120 : i32
          %mul3A_126 = arith.muli %add3A_124, %mul3A_125 : i32
          %multiple_of3A_127 = tpu.assume_multiple %mul3A_126, 128 : i32
          %dma_start3A_128 = arith.constant 0 : i32
          %dma_start3A_129 = arith.constant 0 : i32
          %dma_start3A_130 = arith.constant 0 : i32
          %dma_start3A_131 = tpu.memref_slice %arg6[%dma_start3A_128, %dma_start3A_129, %dma_start3A_130] : memref<2x2x5120xi32, #tpu.memory_space<vmem>> -> memref<1x2x5120xi32, #tpu.memory_space<vmem>>
          %dma_start3A_132 = tpu.memref_squeeze %dma_start3A_131 : memref<1x2x5120xi32, #tpu.memory_space<vmem>> -> memref<2x5120xi32, #tpu.memory_space<vmem>>
          %dma_start3A_133 = arith.constant 0 : i32
          %dma_start3A_134 = tpu.memref_slice %arg3[%dma_start3A_133, %multiple_of3A_127] : memref<2x6400000xi32, #tpu.memory_space<hbm>> -> memref<2x5120xi32, #tpu.memory_space<hbm>>
          %dma_start3A_135 = arith.constant 0 : i32
          %dma_start3A_136 = arith.constant 0 : i32
          %dma_start3A_137 = tpu.memref_slice %arg6[%dma_start3A_128, %dma_start3A_135, %dma_start3A_136] : memref<2x2x5120xi32, #tpu.memory_space<vmem>> -> memref<1x2x5120xi32, #tpu.memory_space<vmem>>
          %dma_start3A_138 = tpu.memref_squeeze %dma_start3A_137 : memref<1x2x5120xi32, #tpu.memory_space<vmem>> -> memref<2x5120xi32, #tpu.memory_space<vmem>>
          %dma_start3A_139 = arith.constant 0 : i32
          %dma_start3A_140 = tpu.memref_slice %arg3[%dma_start3A_139, %multiple_of3A_127] : memref<2x6400000xi32, #tpu.memory_space<hbm>> -> memref<2x5120xi32, #tpu.memory_space<hbm>>
          tpu.enqueue_dma source(%dma_start3A_140 : memref<2x5120xi32, #tpu.memory_space<hbm>>) target(%dma_start3A_138 : memref<2x5120xi32, #tpu.memory_space<vmem>>) target_semaphore(%arg8 : memref<!tpu.dma_semaphore, #tpu.memory_space<semaphore_mem>>)
        } else {
        }
      } else {
      }
      %mul3A_71 = arith.constant 2 : i32
      %mul3A_72 = arith.muli %scan3A_61, %mul3A_71 : i32
      %add3A_73 = arith.constant 1 : i32
      %add3A_74 = arith.addi %mul3A_72, %add3A_73 : i32
      %mul3A_75 = arith.constant 32 : i32
      %mul3A_76 = arith.muli %add3A_74, %mul3A_75 : i32
      %add3A_77 = arith.addi %add3A, %mul3A_76 : i32
      %lt3A_78 = arith.constant 1250 : i32
      %lt3A_79 = arith.cmpi slt, %add3A_77, %lt3A_78 : i32
      %convert_element_type3A_80 = arith.extui %lt3A_79 : i1 to i32
      %cond3A_81 = arith.constant 0 : i32
      %cond3A_82 = arith.cmpi ne, %convert_element_type3A_80, %cond3A_81 : i32
      scf.if %cond3A_82 {
        %multiple_of3A_83 = arith.constant 0 : i32
        %multiple_of3A_84 = tpu.assume_multiple %multiple_of3A_83, 128 : i32
        %dma_wait3A_85 = arith.constant 1 : i32
        %dma_wait3A_86 = arith.constant 0 : i32
        %dma_wait3A_87 = arith.constant 0 : i32
        %dma_wait3A_88 = tpu.memref_slice %arg6[%dma_wait3A_85, %dma_wait3A_86, %dma_wait3A_87] : memref<2x2x5120xi32, #tpu.memory_space<vmem>> -> memref<1x2x5120xi32, #tpu.memory_space<vmem>>
        %dma_wait3A_89 = tpu.memref_squeeze %dma_wait3A_88 : memref<1x2x5120xi32, #tpu.memory_space<vmem>> -> memref<2x5120xi32, #tpu.memory_space<vmem>>
        %dma_wait3A_90 = arith.constant 0 : i32
        %dma_wait3A_91 = tpu.memref_slice %arg3[%dma_wait3A_90, %multiple_of3A_84] : memref<2x6400000xi32, #tpu.memory_space<hbm>> -> memref<2x5120xi32, #tpu.memory_space<hbm>>
        %dma_wait3A_92 = arith.constant 0 : i32
        %dma_wait3A_93 = arith.constant 0 : i32
        %dma_wait3A_94 = tpu.memref_slice %arg6[%dma_wait3A_85, %dma_wait3A_92, %dma_wait3A_93] : memref<2x2x5120xi32, #tpu.memory_space<vmem>> -> memref<1x2x5120xi32, #tpu.memory_space<vmem>>
        %dma_wait3A_95 = tpu.memref_squeeze %dma_wait3A_94 : memref<1x2x5120xi32, #tpu.memory_space<vmem>> -> memref<2x5120xi32, #tpu.memory_space<vmem>>
        %dma_wait3A_96 = arith.constant 0 : i32
        %dma_wait3A_97 = tpu.memref_slice %arg3[%dma_wait3A_96, %multiple_of3A_84] : memref<2x6400000xi32, #tpu.memory_space<hbm>> -> memref<2x5120xi32, #tpu.memory_space<hbm>>
        tpu.wait_dma2 semaphore(%arg9 : memref<!tpu.dma_semaphore, #tpu.memory_space<semaphore_mem>>) src(%dma_wait3A_97 : memref<2x5120xi32, #tpu.memory_space<hbm>>) dst(%dma_wait3A_95 : memref<2x5120xi32, #tpu.memory_space<vmem>>)
        %ge3A = arith.constant 2 : i32
        %ge3A_98 = arith.cmpi sge, %add3A_74, %ge3A : i32
        %convert_element_type3A_99 = arith.extui %ge3A_98 : i1 to i32
        %cond3A_100 = arith.constant 0 : i32
        %cond3A_101 = arith.cmpi ne, %convert_element_type3A_99, %cond3A_100 : i32
        scf.if %cond3A_101 {
          %multiple_of3A_123 = arith.constant 0 : i32
          %multiple_of3A_124 = tpu.assume_multiple %multiple_of3A_123, 128 : i32
          %dma_wait3A_125 = arith.constant 1 : i32
          %dma_wait3A_126 = arith.constant 0 : i32
          %dma_wait3A_127 = tpu.memref_slice %arg7[%dma_wait3A_125, %dma_wait3A_126] : memref<2x5120xf32, #tpu.memory_space<vmem>> -> memref<1x5120xf32, #tpu.memory_space<vmem>>
          %dma_wait3A_128 = tpu.memref_squeeze %dma_wait3A_127 : memref<1x5120xf32, #tpu.memory_space<vmem>> -> memref<5120xf32, #tpu.memory_space<vmem>>
          %dma_wait3A_129 = tpu.memref_slice %arg4[%multiple_of3A_124] : memref<6400000xf32, #tpu.memory_space<hbm>> -> memref<5120xf32, #tpu.memory_space<hbm>>
          %dma_wait3A_130 = tpu.memref_slice %arg4[%multiple_of3A_124] : memref<6400000xf32, #tpu.memory_space<hbm>> -> memref<5120xf32, #tpu.memory_space<hbm>>
          %dma_wait3A_131 = arith.constant 0 : i32
          %dma_wait3A_132 = tpu.memref_slice %arg7[%dma_wait3A_125, %dma_wait3A_131] : memref<2x5120xf32, #tpu.memory_space<vmem>> -> memref<1x5120xf32, #tpu.memory_space<vmem>>
          %dma_wait3A_133 = tpu.memref_squeeze %dma_wait3A_132 : memref<1x5120xf32, #tpu.memory_space<vmem>> -> memref<5120xf32, #tpu.memory_space<vmem>>
          tpu.wait_dma2 semaphore(%arg11 : memref<!tpu.dma_semaphore, #tpu.memory_space<semaphore_mem>>) src(%dma_wait3A_133 : memref<5120xf32, #tpu.memory_space<vmem>>) dst(%dma_wait3A_130 : memref<5120xf32, #tpu.memory_space<hbm>>)
        } else {
        }
        %parallel_loop3A = arith.constant 0 : i32
        %parallel_loop3A_102 = arith.constant 320 : i32
        %parallel_loop3A_103 = arith.constant 1 : i32
        scf.for %parallel_loop3A_123 = %parallel_loop3A to %parallel_loop3A_102 step %parallel_loop3A_103  : i32 {
          %parallel_loop3A_124 = arith.constant 16 : i32
          %parallel_loop3A_125 = arith.muli %parallel_loop3A_123, %parallel_loop3A_124 : i32
          %parallel_loop3A_126 = tpu.assume_multiple %parallel_loop3A_125, 16 : i32
          %parallel_loop3A_127 = arith.constant 1 : i32
          %parallel_loop3A_128 = arith.constant 0 : i32
          %parallel_loop3A_129 = arith.index_cast %parallel_loop3A_127 : i32 to index
          %parallel_loop3A_130 = arith.index_cast %parallel_loop3A_128 : i32 to index
          %parallel_loop3A_131 = arith.index_cast %parallel_loop3A_126 : i32 to index
          %parallel_loop3A_132 = tpu.vector_load %arg6[%parallel_loop3A_129, %parallel_loop3A_130, %parallel_loop3A_131] {strides = array<i32>} : memref<2x2x5120xi32, #tpu.memory_space<vmem>>, vector<16xi32>,
          %parallel_loop3A_133 = tpu.vector_load_idx %arg5[%parallel_loop3A_132] : memref<100096xi32, #tpu.memory_space<vmem>>[vector<16xi32>], vector<16xi32>,
          %parallel_loop3A_134 = arith.constant 1 : i32
          %parallel_loop3A_135 = arith.constant 1 : i32
          %parallel_loop3A_136 = arith.index_cast %parallel_loop3A_134 : i32 to index
          %parallel_loop3A_137 = arith.index_cast %parallel_loop3A_135 : i32 to index
          %parallel_loop3A_138 = arith.index_cast %parallel_loop3A_126 : i32 to index
          %parallel_loop3A_139 = tpu.vector_load %arg6[%parallel_loop3A_136, %parallel_loop3A_137, %parallel_loop3A_138] {strides = array<i32>} : memref<2x2x5120xi32, #tpu.memory_space<vmem>>, vector<16xi32>,
          %parallel_loop3A_140 = tpu.vector_load_idx %arg5[%parallel_loop3A_139] : memref<100096xi32, #tpu.memory_space<vmem>>[vector<16xi32>], vector<16xi32>,
          %parallel_loop3A_141 = arith.constant 16 : i32
          %parallel_loop3A_142 = vector.broadcast %parallel_loop3A_141 : i32 to vector<16xi32>
          %parallel_loop3A_143 = arith.shli %parallel_loop3A_133, %parallel_loop3A_142 : vector<16xi32>
          %parallel_loop3A_144 = vector.bitcast %parallel_loop3A_143 : vector<16xi32> to vector<16xf32>
          %parallel_loop3A_145 = arith.constant -65536 : i32
          %parallel_loop3A_146 = vector.broadcast %parallel_loop3A_145 : i32 to vector<16xi32>
          %parallel_loop3A_147 = arith.andi %parallel_loop3A_140, %parallel_loop3A_146 : vector<16xi32>
          %parallel_loop3A_148 = vector.bitcast %parallel_loop3A_147 : vector<16xi32> to vector<16xf32>
          %parallel_loop3A_149 = arith.mulf %parallel_loop3A_144, %parallel_loop3A_148 : vector<16xf32>
          %parallel_loop3A_150 = arith.constant 1 : i32
          %parallel_loop3A_151 = arith.index_cast %parallel_loop3A_150 : i32 to index
          %parallel_loop3A_152 = arith.index_cast %parallel_loop3A_126 : i32 to index
          %parallel_loop3A_153 = tpu.vector_load %arg7[%parallel_loop3A_151, %parallel_loop3A_152] {strides = array<i32>} : memref<2x5120xf32, #tpu.memory_space<vmem>>, vector<16xf32>,
          tpu.vector_store %arg7[%parallel_loop3A_151, %parallel_loop3A_152], %parallel_loop3A_149 {strides = array<i32>} : memref<2x5120xf32, #tpu.memory_space<vmem>>, vector<16xf32>,
        } {sc.loop_unroll_factor = 16 : i64, sc.parallel_access}
        %mul3A_104 = arith.constant 5120 : i32
        %mul3A_105 = arith.muli %add3A_77, %mul3A_104 : i32
        %multiple_of3A_106 = tpu.assume_multiple %mul3A_105, 128 : i32
        %dma_start3A_107 = arith.constant 1 : i32
        %dma_start3A_108 = arith.constant 0 : i32
        %dma_start3A_109 = tpu.memref_slice %arg7[%dma_start3A_107, %dma_start3A_108] : memref<2x5120xf32, #tpu.memory_space<vmem>> -> memref<1x5120xf32, #tpu.memory_space<vmem>>
        %dma_start3A_110 = tpu.memref_squeeze %dma_start3A_109 : memref<1x5120xf32, #tpu.memory_space<vmem>> -> memref<5120xf32, #tpu.memory_space<vmem>>
        %dma_start3A_111 = tpu.memref_slice %arg4[%multiple_of3A_106] : memref<6400000xf32, #tpu.memory_space<hbm>> -> memref<5120xf32, #tpu.memory_space<hbm>>
        %dma_start3A_112 = tpu.memref_slice %arg4[%multiple_of3A_106] : memref<6400000xf32, #tpu.memory_space<hbm>> -> memref<5120xf32, #tpu.memory_space<hbm>>
        %dma_start3A_113 = arith.constant 0 : i32
        %dma_start3A_114 = tpu.memref_slice %arg7[%dma_start3A_107, %dma_start3A_113] : memref<2x5120xf32, #tpu.memory_space<vmem>> -> memref<1x5120xf32, #tpu.memory_space<vmem>>
        %dma_start3A_115 = tpu.memref_squeeze %dma_start3A_114 : memref<1x5120xf32, #tpu.memory_space<vmem>> -> memref<5120xf32, #tpu.memory_space<vmem>>
        tpu.enqueue_dma source(%dma_start3A_115 : memref<5120xf32, #tpu.memory_space<vmem>>) target(%dma_start3A_112 : memref<5120xf32, #tpu.memory_space<hbm>>) target_semaphore(%arg11 : memref<!tpu.dma_semaphore, #tpu.memory_space<semaphore_mem>>)
        %add3A_116 = arith.constant 64 : i32
        %add3A_117 = arith.addi %add3A_77, %add3A_116 : i32
        %lt3A_118 = arith.constant 1250 : i32
        %lt3A_119 = arith.cmpi slt, %add3A_117, %lt3A_118 : i32
        %convert_element_type3A_120 = arith.extui %lt3A_119 : i1 to i32
        %cond3A_121 = arith.constant 0 : i32
        %cond3A_122 = arith.cmpi ne, %convert_element_type3A_120, %cond3A_121 : i32
        scf.if %cond3A_122 {
          %add3A_123 = arith.constant 64 : i32
          %add3A_124 = arith.addi %add3A_77, %add3A_123 : i32
          %mul3A_125 = arith.constant 5120 : i32
          %mul3A_126 = arith.muli %add3A_124, %mul3A_125 : i32
          %multiple_of3A_127 = tpu.assume_multiple %mul3A_126, 128 : i32
          %dma_start3A_128 = arith.constant 1 : i32
          %dma_start3A_129 = arith.constant 0 : i32
          %dma_start3A_130 = arith.constant 0 : i32
          %dma_start3A_131 = tpu.memref_slice %arg6[%dma_start3A_128, %dma_start3A_129, %dma_start3A_130] : memref<2x2x5120xi32, #tpu.memory_space<vmem>> -> memref<1x2x5120xi32, #tpu.memory_space<vmem>>
          %dma_start3A_132 = tpu.memref_squeeze %dma_start3A_131 : memref<1x2x5120xi32, #tpu.memory_space<vmem>> -> memref<2x5120xi32, #tpu.memory_space<vmem>>
          %dma_start3A_133 = arith.constant 0 : i32
          %dma_start3A_134 = tpu.memref_slice %arg3[%dma_start3A_133, %multiple_of3A_127] : memref<2x6400000xi32, #tpu.memory_space<hbm>> -> memref<2x5120xi32, #tpu.memory_space<hbm>>
          %dma_start3A_135 = arith.constant 0 : i32
          %dma_start3A_136 = arith.constant 0 : i32
          %dma_start3A_137 = tpu.memref_slice %arg6[%dma_start3A_128, %dma_start3A_135, %dma_start3A_136] : memref<2x2x5120xi32, #tpu.memory_space<vmem>> -> memref<1x2x5120xi32, #tpu.memory_space<vmem>>
          %dma_start3A_138 = tpu.memref_squeeze %dma_start3A_137 : memref<1x2x5120xi32, #tpu.memory_space<vmem>> -> memref<2x5120xi32, #tpu.memory_space<vmem>>
          %dma_start3A_139 = arith.constant 0 : i32
          %dma_start3A_140 = tpu.memref_slice %arg3[%dma_start3A_139, %multiple_of3A_127] : memref<2x6400000xi32, #tpu.memory_space<hbm>> -> memref<2x5120xi32, #tpu.memory_space<hbm>>
          tpu.enqueue_dma source(%dma_start3A_140 : memref<2x5120xi32, #tpu.memory_space<hbm>>) target(%dma_start3A_138 : memref<2x5120xi32, #tpu.memory_space<vmem>>) target_semaphore(%arg9 : memref<!tpu.dma_semaphore, #tpu.memory_space<semaphore_mem>>)
        } else {
        }
      } else {
      }
    }
    %scan3A_39 = arith.constant 20 : i32
    %multiple_of3A_40 = arith.constant 0 : i32
    %multiple_of3A_41 = tpu.assume_multiple %multiple_of3A_40, 128 : i32
    %dma_wait3A = arith.constant 0 : i32
    %dma_wait3A_42 = arith.constant 0 : i32
    %dma_wait3A_43 = tpu.memref_slice %arg7[%dma_wait3A, %dma_wait3A_42] : memref<2x5120xf32, #tpu.memory_space<vmem>> -> memref<1x5120xf32, #tpu.memory_space<vmem>>
    %dma_wait3A_44 = tpu.memref_squeeze %dma_wait3A_43 : memref<1x5120xf32, #tpu.memory_space<vmem>> -> memref<5120xf32, #tpu.memory_space<vmem>>
    %dma_wait3A_45 = tpu.memref_slice %arg4[%multiple_of3A_41] : memref<6400000xf32, #tpu.memory_space<hbm>> -> memref<5120xf32, #tpu.memory_space<hbm>>
    %dma_wait3A_46 = tpu.memref_slice %arg4[%multiple_of3A_41] : memref<6400000xf32, #tpu.memory_space<hbm>> -> memref<5120xf32, #tpu.memory_space<hbm>>
    %dma_wait3A_47 = arith.constant 0 : i32
    %dma_wait3A_48 = tpu.memref_slice %arg7[%dma_wait3A, %dma_wait3A_47] : memref<2x5120xf32, #tpu.memory_space<vmem>> -> memref<1x5120xf32, #tpu.memory_space<vmem>>
    %dma_wait3A_49 = tpu.memref_squeeze %dma_wait3A_48 : memref<1x5120xf32, #tpu.memory_space<vmem>> -> memref<5120xf32, #tpu.memory_space<vmem>>
    tpu.wait_dma2 semaphore(%arg10 : memref<!tpu.dma_semaphore, #tpu.memory_space<semaphore_mem>>) src(%dma_wait3A_49 : memref<5120xf32, #tpu.memory_space<vmem>>) dst(%dma_wait3A_46 : memref<5120xf32, #tpu.memory_space<hbm>>)
    %multiple_of3A_50 = arith.constant 0 : i32
    %multiple_of3A_51 = tpu.assume_multiple %multiple_of3A_50, 128 : i32
    %dma_wait3A_52 = arith.constant 1 : i32
    %dma_wait3A_53 = arith.constant 0 : i32
    %dma_wait3A_54 = tpu.memref_slice %arg7[%dma_wait3A_52, %dma_wait3A_53] : memref<2x5120xf32, #tpu.memory_space<vmem>> -> memref<1x5120xf32, #tpu.memory_space<vmem>>
    %dma_wait3A_55 = tpu.memref_squeeze %dma_wait3A_54 : memref<1x5120xf32, #tpu.memory_space<vmem>> -> memref<5120xf32, #tpu.memory_space<vmem>>
    %dma_wait3A_56 = tpu.memref_slice %arg4[%multiple_of3A_51] : memref<6400000xf32, #tpu.memory_space<hbm>> -> memref<5120xf32, #tpu.memory_space<hbm>>
    %dma_wait3A_57 = tpu.memref_slice %arg4[%multiple_of3A_51] : memref<6400000xf32, #tpu.memory_space<hbm>> -> memref<5120xf32, #tpu.memory_space<hbm>>
    %dma_wait3A_58 = arith.constant 0 : i32
    %dma_wait3A_59 = tpu.memref_slice %arg7[%dma_wait3A_52, %dma_wait3A_58] : memref<2x5120xf32, #tpu.memory_space<vmem>> -> memref<1x5120xf32, #tpu.memory_space<vmem>>
    %dma_wait3A_60 = tpu.memref_squeeze %dma_wait3A_59 : memref<1x5120xf32, #tpu.memory_space<vmem>> -> memref<5120xf32, #tpu.memory_space<vmem>>
    tpu.wait_dma2 semaphore(%arg11 : memref<!tpu.dma_semaphore, #tpu.memory_space<semaphore_mem>>) src(%dma_wait3A_60 : memref<5120xf32, #tpu.memory_space<vmem>>) dst(%dma_wait3A_57 : memref<5120xf32, #tpu.memory_space<hbm>>)
    return
  }
}

module attributes {stable_mosaic.version = 14 : i64} {
  func.func @body(%arg0: memref<782x128xf32, #tpu.memory_space<vmem>>, %arg1: memref<782x128xf32, #tpu.memory_space<vmem>>, %arg2: memref<782x128xi32, #tpu.memory_space<vmem>>) attributes {dimension_semantics = [], scalar_prefetch = 0 : i64, scratch_operands = 0 : i64, tpu.core_type = #tpu.core_type<tc>} {
    %get3A = arith.constant 0 : index
    %get3A_0 = arith.constant 0 : index
    %get3A_1 = vector.load %arg0[%get3A, %get3A_0] : memref<782x128xf32, #tpu.memory_space<vmem>>, vector<782x128xf32>
    %eq3A = arith.constant 0.000000e+00 : f32
    %eq3A_2 = vector.broadcast %eq3A : f32 to vector<782x128xf32>
    %eq3A_3 = arith.cmpf oeq, %get3A_1, %eq3A_2 : vector<782x128xf32>
    %broadcast_in_dim3A = arith.constant 0.000000e+00 : f32
    %broadcast_in_dim3A_4 = vector.broadcast %broadcast_in_dim3A : f32 to vector<782x128xf32>
    %rsqrt3A = math.rsqrt %get3A_1 : vector<782x128xf32>
    %select_n3A = arith.select %eq3A_3, %broadcast_in_dim3A_4, %rsqrt3A : vector<782x128xi1>, vector<782x128xf32>
    %bitcast_convert_type3A = tpu.bitcast %select_n3A : vector<782x128xf32> -> vector<782x128xi32>
    %add3A = arith.constant 32767 : i32
    %add3A_5 = vector.broadcast %add3A : i32 to vector<782x128xi32>
    %add3A_6 = arith.addi %bitcast_convert_type3A, %add3A_5 : vector<782x128xi32>
    %shift_right_arithmetic3A = arith.constant 16 : i32
    %shift_right_arithmetic3A_7 = vector.broadcast %shift_right_arithmetic3A : i32 to vector<782x128xi32>
    %shift_right_arithmetic3A_8 = arith.shrsi %bitcast_convert_type3A, %shift_right_arithmetic3A_7 : vector<782x128xi32>
    %and3A = arith.constant 1 : i32
    %and3A_9 = vector.broadcast %and3A : i32 to vector<782x128xi32>
    %and3A_10 = arith.andi %shift_right_arithmetic3A_8, %and3A_9 : vector<782x128xi32>
    %add3A_11 = arith.addi %add3A_6, %and3A_10 : vector<782x128xi32>
    %shift_right_arithmetic3A_12 = arith.constant 16 : i32
    %shift_right_arithmetic3A_13 = vector.broadcast %shift_right_arithmetic3A_12 : i32 to vector<782x128xi32>
    %shift_right_arithmetic3A_14 = arith.shrsi %add3A_11, %shift_right_arithmetic3A_13 : vector<782x128xi32>
    %get3A_15 = arith.constant 0 : index
    %get3A_16 = arith.constant 0 : index
    %get3A_17 = vector.load %arg1[%get3A_15, %get3A_16] : memref<782x128xf32, #tpu.memory_space<vmem>>, vector<782x128xf32>
    %eq3A_18 = arith.constant 0.000000e+00 : f32
    %eq3A_19 = vector.broadcast %eq3A_18 : f32 to vector<782x128xf32>
    %eq3A_20 = arith.cmpf oeq, %get3A_17, %eq3A_19 : vector<782x128xf32>
    %broadcast_in_dim3A_21 = arith.constant 0.000000e+00 : f32
    %broadcast_in_dim3A_22 = vector.broadcast %broadcast_in_dim3A_21 : f32 to vector<782x128xf32>
    %rsqrt3A_23 = math.rsqrt %get3A_17 : vector<782x128xf32>
    %select_n3A_24 = arith.select %eq3A_20, %broadcast_in_dim3A_22, %rsqrt3A_23 : vector<782x128xi1>, vector<782x128xf32>
    %bitcast_convert_type3A_25 = tpu.bitcast %select_n3A_24 : vector<782x128xf32> -> vector<782x128xi32>
    %add3A_26 = arith.constant 32767 : i32
    %add3A_27 = vector.broadcast %add3A_26 : i32 to vector<782x128xi32>
    %add3A_28 = arith.addi %bitcast_convert_type3A_25, %add3A_27 : vector<782x128xi32>
    %shift_right_arithmetic3A_29 = arith.constant 16 : i32
    %shift_right_arithmetic3A_30 = vector.broadcast %shift_right_arithmetic3A_29 : i32 to vector<782x128xi32>
    %shift_right_arithmetic3A_31 = arith.shrsi %bitcast_convert_type3A_25, %shift_right_arithmetic3A_30 : vector<782x128xi32>
    %and3A_32 = arith.constant 1 : i32
    %and3A_33 = vector.broadcast %and3A_32 : i32 to vector<782x128xi32>
    %and3A_34 = arith.andi %shift_right_arithmetic3A_31, %and3A_33 : vector<782x128xi32>
    %add3A_35 = arith.addi %add3A_28, %and3A_34 : vector<782x128xi32>
    %shift_right_arithmetic3A_36 = arith.constant 16 : i32
    %shift_right_arithmetic3A_37 = vector.broadcast %shift_right_arithmetic3A_36 : i32 to vector<782x128xi32>
    %shift_right_arithmetic3A_38 = arith.shrsi %add3A_35, %shift_right_arithmetic3A_37 : vector<782x128xi32>
    %shift_left3A = arith.constant 16 : i32
    %shift_left3A_39 = vector.broadcast %shift_left3A : i32 to vector<782x128xi32>
    %shift_left3A_40 = arith.shli %shift_right_arithmetic3A_38, %shift_left3A_39 : vector<782x128xi32>
    %or3A = arith.ori %shift_right_arithmetic3A_14, %shift_left3A_40 : vector<782x128xi32>
    %swap3A = arith.constant 0 : index
    %swap3A_41 = arith.constant 0 : index
    %swap3A_42 = vector.load %arg2[%swap3A, %swap3A_41] : memref<782x128xi32, #tpu.memory_space<vmem>>, vector<782x128xi32>
    tpu.vector_store %arg2[%swap3A, %swap3A_41], %or3A {strides = array<i32>} : memref<782x128xi32, #tpu.memory_space<vmem>>, vector<782x128xi32>,
    return
  }
}

</mosaic_0001>

<sc_bundles>
// kernel: kernel.4.cloned.1.call-start
scs
__scs_entry_jumppad:
0x0: {  	(pc) =	sbr.rel $0x88, $3  }
0x1: {  	(tag) =	ssettag $0x0;
	lr =	simm.s32 $0x1  }
0x2: {  	[smem:$0x3F9E] =	sst lr;
	_ =	strace $0xD0000000  }
0x3: {  	_ = 	snop  }
0x4: {  	_ = 	snop  }
0x5: {  	_ = 	snop  }
0x6: {  	_ = 	snop  }
0x7: {  	_ = 	snop  }
__scs_overlays_trampoline_lowered:
0x8: {  	[smem:$0x3FAD] =	sst s0  }
0x9: {  	[smem:$0x3FAE] =	sst s1  }
0xa: {  	[smem:$0x3FAF] =	sst s2  }
0xb: {  	[smem:$0x3FB0] =	sst s3  }
0xc: {  	[smem:$0x3FB1] =	sst s4  }
0xd: {  	[smem:$0x3FB2] =	sst s5  }
0xe: {  	[smem:$0x3FB3] =	sst s6  }
0xf: {  	[smem:$0x3FB4] =	sst s7  }
0x10: {  	[smem:$0x3FB5] =	sst s8  }
0x11: {  	[smem:$0x3FB6] =	sst s9;
	s0 =	simm.s32 @!p0 $0x0  }
0x12: {  	s1 =	sld [smem:$0x3F9C];
	s0 =	simm.s32 @p0 $0x1  }
0x13: {  	[smem:$0x3FB7] =	sst s0;
	s0 =	simm.s32 @!p1 $0x0  }
0x14: {  	s2 =	sld [smem:$0x3F9B];
	s0 =	simm.s32 @p1 $0x1  }
0x15: {  	[smem:$0x3FB8] =	sst s0;
	s0 =	simm.s32 @!p2 $0x0  }
0x16: {  	s3 =	sld [smem:$0x3FDB];
	s0 =	simm.s32 @p2 $0x1  }
0x17: {  	s4 =	simm.s32 $0x1BF5;
	[smem:$0x3FBA] =	sst s0  }
0x18: {  	s0 =	sld [smem:$0x3F9D];
	_ =	swait.ge [sflag:s4], $0x0  }
0x19: {  	s7 =	sld [smem:$0x3F9E]  }
0x1a: {  	s8 =	sadd.s32 $0xFFFFE003, lr  }
0x1b: {  	s9 =	sadd.s32 $0xFFFFFEF7, lr;
	s5 =	simm.s32 $0xFFFFFFFF;
	p2 =	slt.u32 s8, $0xFFFFF086  }
0x1c: {  	p1 =	slt.u32 s9, $0xF7A;
	s5 =	simm.s32 @!p2 $0x0  }
0x1d: {  	s5 =	simm.s32 @p1 $0x1;
	p0 =	seq.s32 s7, s2  }
0x1e: {  	s7 =	smul.u32 @!p0 $0xF7A, s2;
	p2 =	seq.s32 @!p0 s5, $0x0  }
0x1f: {  	s9 =	smul.u32 $0xF7A, s1;
	s8 =	simm.s32 @!p0 $0x1BF5;
	p2 =	por !p2, p0  }
0x20: {  	[sflag:s8] =	ssyncset.s32 @!p0 $0xFFFFF086;
	s6 =	sadd.s32 @!p0 s3, s7;
	s7 =	simm.s32 @!p0 $0x108  }
0x21: {  	s3 =	sadd.s32 s3, s9;
	s6 =	sadd.s32 @!p0 $0x88, s6;
	s7 =	simm.s32 @p2 $0x1082  }
0x22: {  	[simem:s7], [sflag:s8] =	dma.local @!p0 [hbm:s6], $0xF7A  }
0x23: {  	s9 =	sor.u32 $0xD0000000, s2;
	s6 =	simm.s32 $0x108;
	_ =	swait.ge @!p0 [sflag:s8], $0x0  }
0x24: {  	s3 =	sadd.s32 $0x88, s3;
	s6 =	simm.s32 @!p1 $0x1082;
	[sflag:s4] =	ssyncset.s32 $0xFFFFF086  }
0x25: {  	[simem:s6], [sflag:s4] =	dma.local [hbm:s3], $0xF7A  }
0x26: {  	[smem:$0x3F9E] =	sst s1;
	(tag) =	ssettag s2;
	_ =	strace s9  }
0x27: {  	s1 =	sld [smem:$0x3FAE]  }
0x28: {  	s2 =	sld [smem:$0x3FAF]  }
0x29: {  	s4 =	sld [smem:$0x3FB1]  }
0x2a: {  	p0 =	seq.s32 s5, $0x0;
	s5 =	sld [smem:$0x3FB2]  }
0x2b: {  	s6 =	sld [smem:$0x3FB3]  }
0x2c: {  	s7 =	sld [smem:$0x3FB4]  }
0x2d: {  	s3 =	simm.s32 $0x108;
	s8 =	sld [smem:$0x3FB5]  }
0x2e: {  	s3 =	simm.s32 @!p0 $0x1082;
	s9 =	sld [smem:$0x3FB6]  }
0x2f: {  	lr =	sadd.s32 s0, s3;
	s0 =	sld [smem:$0x3FAD]  }
0x30: {  	s3 =	sld [smem:$0x3FB0]  }
0x31: {  	[smem:$0x3FB9] =	sst s10  }
0x32: {  	s10 =	sld [smem:$0x3FB7];
	_ =	sdelay $0x3  }
0x33: {  	p0 =	seq.s32 s10, $0x1;
	s10 =	sld [smem:$0x3FB9];
	_ =	sdelay $0x3  }
0x34: {  	[smem:$0x3FB9] =	sst s10  }
0x35: {  	s10 =	sld [smem:$0x3FB8];
	_ =	sdelay $0x3  }
0x36: {  	p1 =	seq.s32 s10, $0x1;
	s10 =	sld [smem:$0x3FB9];
	_ =	sdelay $0x3  }
0x37: {  	[smem:$0x3FB9] =	sst s10  }
0x38: {  	s10 =	sld [smem:$0x3FBA]  }
0x39: {  	_ = 	snop;
	(pc) =	sbr.ind lr, $3  }
0x3a: {  	_ = 	snop  }
0x3b: {  	_ = 	snop  }
0x3c: {  	p2 =	seq.s32 s10, $0x1;
	s10 =	sld [smem:$0x3FB9]  }
0x3d: {  	_ =	shalt  }
0x3e: {  	_ =	shalt  }
0x3f: {  	_ =	shalt  }
0x40: {  	_ =	shalt  }
0x41: {  	_ =	shalt  }
0x42: {  	_ =	shalt  }
0x43: {  	_ =	shalt  }
0x44: {  	_ =	shalt  }
0x45: {  	_ =	shalt  }
0x46: {  	_ =	shalt  }
0x47: {  	_ =	shalt  }
0x48: {  	_ =	shalt  }
0x49: {  	_ =	shalt  }
0x4a: {  	_ =	shalt  }
0x4b: {  	_ =	shalt  }
0x4c: {  	_ =	shalt  }
0x4d: {  	_ =	shalt  }
0x4e: {  	_ =	shalt  }
0x4f: {  	_ =	shalt  }
0x50: {  	_ =	shalt  }
0x51: {  	_ =	shalt  }
0x52: {  	_ =	shalt  }
0x53: {  	_ =	shalt  }
0x54: {  	_ =	shalt  }
0x55: {  	_ =	shalt  }
0x56: {  	_ =	shalt  }
0x57: {  	_ =	shalt  }
0x58: {  	_ =	shalt  }
0x59: {  	_ =	shalt  }
0x5a: {  	_ =	shalt  }
0x5b: {  	_ =	shalt  }
0x5c: {  	_ =	shalt  }
0x5d: {  	_ =	shalt  }
0x5e: {  	_ =	shalt  }
0x5f: {  	_ =	shalt  }
0x60: {  	_ =	shalt  }
0x61: {  	_ =	shalt  }
0x62: {  	_ =	shalt  }
0x63: {  	_ =	shalt  }
0x64: {  	_ =	shalt  }
0x65: {  	_ =	shalt  }
0x66: {  	_ =	shalt  }
0x67: {  	_ =	shalt  }
0x68: {  	_ =	shalt  }
0x69: {  	_ =	shalt  }
0x6a: {  	_ =	shalt  }
0x6b: {  	_ =	shalt  }
0x6c: {  	_ =	shalt  }
0x6d: {  	_ =	shalt  }
0x6e: {  	_ =	shalt  }
0x6f: {  	_ =	shalt  }
0x70: {  	_ =	shalt  }
0x71: {  	_ =	shalt  }
0x72: {  	_ =	shalt  }
0x73: {  	_ =	shalt  }
0x74: {  	_ =	shalt  }
0x75: {  	_ =	shalt  }
0x76: {  	_ =	shalt  }
0x77: {  	_ =	shalt  }
0x78: {  	_ =	shalt  }
0x79: {  	_ =	shalt  }
0x7a: {  	_ =	shalt  }
0x7b: {  	_ =	shalt  }
0x7c: {  	_ =	shalt  }
0x7d: {  	_ =	shalt  }
0x7e: {  	_ =	shalt  }
0x7f: {  	_ =	shalt  }
0x80: {  	_ =	shalt  }
0x81: {  	_ =	shalt  }
0x82: {  	_ =	shalt  }
0x83: {  	_ =	shalt  }
0x84: {  	_ =	shalt  }
0x85: {  	_ =	shalt  }
0x86: {  	_ =	shalt  }
0x87: {  	_ =	shalt  }
.Lfunc_end0:
.L_simem_size_0:
called_computation_lowered:
.L_overlay_start_0:
0x88: {  	s2 =	sld [smem:$0x3FD9]  }
0x89: {  	s3 =	sld [smem:$0x3FFE];
	_ =	sdelay $0x1  }
0x8a: {  	s1 =	srdreg.scid  }
0x8b: {  	s0 =	sand.u32 $0x1, s1  }
0x8c: {  	s17 =	sshll.u32 s0, $0xA;
	s2 =	sadd.s32 s3, s2  }
0x8d: {  	s2 =	sadd.s32 s2, s17  }
0x8e: {  	[smem:$0x3FC5] =	sst s2  }
0x8f: {  	_ = 	snop  }
0x90: {  	s2 =	sld [smem:$0x3FC7]  }
0x91: {  	s18 =	sld [smem:$0x3FD0];
	(tm) =	ssettm $0x1  }
0x92: {  	s4 =	sld [smem:$0x3FFB];
	_ =	sdelay $0x3  }
0x93: {  	_ =	strace s4  }
0x94: {  	s4 =	sld [smem:$0x3FFC];
	_ =	sdelay $0x3  }
0x95: {  	_ =	strace s4  }
0x96: {  	s4 =	sld [smem:$0x3FFD];
	_ =	sdelay $0x3  }
0x97: {  	_ =	strace s4  }
0x98: {  	_ =	strace $0x8FFFFFFF  }
0x99: {  	s19 =	sld [smem:$0x3FDB];
	_ =	sdelay $0x1  }
0x9a: {  	s5 =	simm.s32 $_scs_section_size  }
0x9b: {  	s6 =	simm.s32 $_size__tile_overlayer_lowered;
	s7 =	simm.s32 $_tile_overlayer_lowered  }
0x9c: {  	s22 =	simm.s32 $0x1BFF;
	s21 =	sshll.u32 s7, $0x1;
	s4 =	sadd.s32 s5, s19  }
0x9d: {  	s8 =	simm.s32 $0x0;
	s20 =	sshll.u32 s6, $0x1;
	s6 =	sadd.s32 s21, s4  }
0x9e: {  	[timem:s8], [sflag:s22] =	dma.local [hbm:s6], s20  }
0x9f: {  	_ =	swait.ge [sflag:s22], s20  }
0xa0: {  	s5 =	ssub.s32 $0x0, s20;
	[sflag:s22] =	ssyncset.done $0x0  }
0xa1: {  	[sflag:s22] =	ssyncadd.s32 s5;
	_ =	sdelay $0x1  }
0xa2: {  	s23 =	simm.s32 $0x1B8B  }
0xa3: {  	_ =	swait.ge [sflag:s23], $0x1  }
0xa4: {  	[sflag:s23] =	ssyncset.done $0x0  }
0xa5: {  	s25 =	simm.s32 $0x1B8E;
	s24 =	sld [smem:$0x3FFE];
	[sflag:s23] =	ssyncadd.s32 $0xFFFFFFFF  }
0xa6: {  	s26 =	simm.s32 $execute0_lowered;
	[smem:$0x3FD2] =	sst s25  }
0xa7: {  	s6 =	sshll.u32 s26, $0x1;
	_ =	strace $0x80000046;
	[dreg:$0x1] =	wrdreg $0xFFFFFFFF  }
0xa8: {  	s28 =	simm.s32 $_size_execute0_lowered;
	s4 =	sadd.s32 s4, s6;
	[dreg:$0x0] =	wrdreg $0x0  }
0xa9: {  	s6 =	sshll.u32 s28, $0x1;
	[dreg:$0x2] =	wrdreg s4  }
0xaa: {  	[dreg:$0x3] =	wrdreg s6  }
0xab: {  	[dreg:$0x4] =	wrdreg $0xC0  }
0xac: {  	_ =	task [dreg:s8], $0x5FFFF  }
0xad: {  	[dreg:$0x1] =	wrdreg $0xFFFFFFFF  }
0xae: {  	[dreg:$0x0] =	wrdreg $0x60  }
0xaf: {  	[dreg:$0x2] =	wrdreg s24  }
0xb0: {  	[dreg:$0x3] =	wrdreg s2  }
0xb1: {  	[dreg:$0x4] =	wrdreg s18  }
0xb2: {  	[dreg:$0x5] =	wrdreg $0x9  }
0xb3: {  	_ =	task.clear_ibuf [dreg:s8], $0x6FFFF;
	_ =	strace $0x90000046  }
0xb4: {  	s29 =	simm.s32 $0x9;
	_ =	strace $0x80000048  }
0xb5: {  	_ =	swait.ge [sflag:s29], $0x1  }
0xb6: {  	[sflag:s29] =	ssyncadd.s32 $0xFFFFFFFF  }
0xb7: {  	_ =	strace $0x90000048  }
0xb8: {  	_ =	sfence  }
0xb9: {  	s30 =	sld [smem:$0x0];
	_ =	sdelay $0x2  }
0xba: {  	s31 =	sshll.u32 s1, $0xD;
	s1 =	sshrl.u32 s1, $0x2  }
0xbb: {  	s3 =	sand.u32 $0x4000, s31;
	s1 =	sadd.s32 s1, s30  }
0xbc: {  	s0 =	sor.u32 s3, s0;
	s1 =	sshll.u32 s1, $0x11  }
0xbd: {  	s0 =	sor.u32 s1, s0  }
0xbe: {  	s0 =	sadd.s32 $0x8F2B, s0  }
0xbf: {  	[sflag:s0] =	ssyncadd.remote.s32 $0x1  }
0xc0: {  	_ =	sfence.sel $0xFFFF  }
0xc1: {  	[dreg:$0x0] =	wrdreg $0xFFFFFFFF;
	(pc) =	sbr.abs _section_cstart, $3  }
0xc2: {  	[dreg:$0x1] =	wrdreg $0xFFFFFFFF  }
0xc3: {  	_ =	task.clear_ibuf [dreg:s8], $0x2FFFF;
	_ =	strace $0x9FFFFFFF  }
0xc4: {  	(tm) =	ssettm $0x7FFFFFFF  }
0xc5: {  	_ =	shalt  }
tec
execute0_lowered:
.L_overlay_start_1:
0x0: {  	(tag) =	ssettag $0x1  }
0x1: {  	s6 =	rddreg [dreg:$0x0]  }
0x2: {  	s2 =	rddreg [dreg:$0x1];
	s1 =	srdreg.scid  }
0x3: {  	s0 =	stileid.u32;
	s3 =	rddreg [dreg:$0x2]  }
0x4: {  	s4 =	simm.s32 $0x0;
	s11 =	simm.s32 $0x1AF00;
	s12 =	simm.s32 $0x5  }
0x5: {  	s13 =	simm.s32 $0x1;
	s7 =	sand.u32 $0x1, s1;
	s5 =	sshll.u32 s0, $0x1  }
0x6: {  	s14 =	simm.s32 $0x2;
	s15 =	simm.s32 $0x3;
	s5 =	sor.u32 s7, s5  }
0x7: {  	s16 =	simm.s32 $0x4;
	s1 =	rddreg [dreg:$0x3];
	s8 =	smul.u32 $0x2800, s5  }
.Ltmp0:
0x8: {  	s17 =	simm.s32 $0x0;
	[smem:$0x7FF] =	sst s4;
	(pc) =	sbr.rel .LBB2_1-.Ltmp0, $4  }
0x9: {  	s6 =	sadd.s32 $0x800, s6;
	s7 =	ssub.s32 $0x2, s7;
	s9 =	smul.u32 $0x500, s5  }
0xa: {  	_ =	strace $0x80000047;
	s10 =	sshrl.u32 s7, $0x1;
	s8 =	sshrl.u32 s8, $0x3  }
0xb: {  	s10 =	ssub.s32 s7, s10;
	s7 =	sadd.s32 s2, s9;
	s8 =	sadd.s32 s2, s8  }
0xc: {  	s9 =	smax.u32 s10, $0x1;
	s10 =	simm.s32 $0x18700;
	s8 =	sadd.s32 $0xA000, s8  }
.LBB2_13:
0xd: {  	s17 =	sadd.s32 $0x1, s17  }
0xe: {  	_ =	swait.ge [sflag:s15], $0x1400;
	p0 =	sne.s32 s17, s9  }
.Ltmp1:
0xf: {  	[sflag:s15] =	ssyncset.done $0x0;
	(pc) =	sbr.rel @!p0 .LBB2_14-.Ltmp1, $4  }
0x10: {  	[sflag:s15] =	ssyncadd.s32 $0xFFFFEC00  }
0x11: {  	_ =	swait.ge [sflag:s16], $0x1400  }
0x12: {  	[sflag:s16] =	ssyncset.done $0x0  }
0x13: {  	[sflag:s16] =	ssyncadd.s32 $0xFFFFEC00  }
.LBB2_1:
0x14: {  	[tilespmem:s10], [sflag:$0x1] =	stream.linear.gather [hbm4b:s7+s4], $0x2800, $0x38;
	[tilespmem:$0x1FF00] =	vst v63  }
0x15: {  	_ = 	snop  }
0x16: {  	[tilespmem:s11], [sflag:$0x2] =	stream.linear.gather [hbm4b:s8+s4], $0x2800, $0x38;
	[tilespmem:$0x1FF00] =	vst v63  }
.Ltmp2:
0x17: {  	_ = 	snop;
	(pc) =	sbr.rel .LBB2_2-.Ltmp2, $4  }
0x18: {  	[tilespmem:s4], [sflag:$0x5] =	stream.linear.gather [hbm4b:s6+s4], $0x18700, $0x38;
	[tilespmem:$0x1FF00] =	vst v63  }
0x19: {  	_ =	swait.ge [sflag:s12], $0x18700  }
0x1a: {  	[sflag:s12] =	ssyncset.done $0x0  }
0x1b: {  	s18 =	simm.s32 $0x0;
	[sflag:s12] =	ssyncadd.s32 $0xFFFE7900  }
.LBB2_12:
0x1c: {  	s18 =	sadd.s32 $0x1, s18  }
0x1d: {  	p0 =	sne.s32 s18, $0x14  }
.Ltmp3:
0x1e: {  	_ = 	snop;
	(pc) =	sbr.rel @!p0 .LBB2_13-.Ltmp3, $1  }
0x1f: {  	_ =	sdelay $0x3  }
.LBB2_2:
0x20: {  	_ =	swait.ge [sflag:s13], $0x2800  }
0x21: {  	p0 =	seq.s32 s18, $0x0;
	[sflag:s13] =	ssyncset.done $0x0  }
0x22: {  	s19 =	simm.s32 @!p0 $0x3;
	[sflag:s13] =	ssyncadd.s32 $0xFFFFD800  }
0x23: {  	_ =	swait.ge @!p0 [sflag:s19], $0x1400  }
0x24: {  	[sflag:s19] =	ssyncset.done @!p0 $0x0  }
0x25: {  	s31 =	simm.s32 $0x18800;
	[sflag:s19] =	ssyncadd.s32 @!p0 $0xFFFFEC00  }
0x26: {  	v0 =	vld [tilespmem:s31+$0x70]  }
0x27: {  	v1 =	vld [tilespmem:s31+$0xF0]  }
0x28: {  	v2 =	vld [tilespmem:s31+$0xFFFFFF80]  }
0x29: {  	v3 =	vld [tilespmem:s31+$0xFFFFFF10]  }
0x2a: {  	v4 =	vld [tilespmem:s31+$0xFFFFFF90]  }
0x2b: {  	v5 =	vld [tilespmem:s31+$0xFFFFFF20]  }
0x2c: {  	v6 =	vld [tilespmem:s31+$0xFFFFFFA0]  }
0x2d: {  	v7 =	vld [tilespmem:s31+$0xFFFFFF30]  }
0x2e: {  	v8 =	vld [tilespmem:s31+$0xFFFFFFB0]  }
0x2f: {  	v9 =	vld [tilespmem:s31+$0xFFFFFF40]  }
0x30: {  	v10 =	vld [tilespmem:s31+$0xFFFFFFC0]  }
0x31: {  	v11 =	vld [tilespmem:s31+$0xFFFFFF50]  }
0x32: {  	v12 =	vld [tilespmem:s31+$0xFFFFFFD0]  }
0x33: {  	v13 =	vld [tilespmem:s31+$0xFFFFFF60]  }
0x34: {  	v14 =	vld [tilespmem:s31+$0xFFFFFFE0]  }
0x35: {  	v15 =	vld [tilespmem:s31+$0xFFFFFF70]  }
0x36: {  	v16 =	vld [tilespmem:s31+$0xFFFFFFF0]  }
0x37: {  	v17 =	vld [tilespmem:s31+$0x0]  }
0x38: {  	v18 =	vld [tilespmem:s31+$0x80]  }
0x39: {  	v19 =	vld [tilespmem:s31+$0x10]  }
0x3a: {  	v20 =	vld [tilespmem:s31+$0x90]  }
0x3b: {  	v21 =	vld [tilespmem:s31+$0x20]  }
0x3c: {  	v22 =	vld [tilespmem:s31+$0xA0]  }
0x3d: {  	v23 =	vld [tilespmem:s31+$0x30]  }
0x3e: {  	v24 =	vld [tilespmem:s31+$0xB0]  }
0x3f: {  	v25 =	vld [tilespmem:s31+$0x40]  }
0x40: {  	v26 =	vld [tilespmem:s31+$0xC0]  }
0x41: {  	v27 =	vld [tilespmem:s31+$0x50]  }
0x42: {  	v28 =	vld [tilespmem:s31+$0xD0]  }
0x43: {  	v29 =	vld [tilespmem:s31+$0x60]  }
0x44: {  	v30 =	vld [tilespmem:s31+$0xE0]  }
0x45: {  	v31 =	vld [tilespmem:s31+$0xFFFFFF00]  }
0x46: {  	v0 =	vld.idx.msk [tilespmem:v0+s4+$0x0], $0xffff  }
0x47: {  	v1 =	vld.idx.msk [tilespmem:v1+s4+$0x0], $0xffff  }
0x48: {  	v2 =	vld.idx.msk [tilespmem:v2+s4+$0x0], $0xffff  }
0x49: {  	v3 =	vld.idx.msk [tilespmem:v3+s4+$0x0], $0xffff  }
0x4a: {  	v4 =	vld.idx.msk [tilespmem:v4+s4+$0x0], $0xffff  }
0x4b: {  	v5 =	vld.idx.msk [tilespmem:v5+s4+$0x0], $0xffff  }
0x4c: {  	v6 =	vld.idx.msk [tilespmem:v6+s4+$0x0], $0xffff  }
0x4d: {  	v7 =	vld.idx.msk [tilespmem:v7+s4+$0x0], $0xffff  }
0x4e: {  	v8 =	vld.idx.msk [tilespmem:v8+s4+$0x0], $0xffff  }
0x4f: {  	v31 =	vld.idx.msk [tilespmem:v31+s4+$0x0], $0xffff  }
0x50: {  	v9 =	vld.idx.msk [tilespmem:v9+s4+$0x0], $0xffff  }
0x51: {  	v10 =	vld.idx.msk [tilespmem:v10+s4+$0x0], $0xffff  }
0x52: {  	v11 =	vld.idx.msk [tilespmem:v11+s4+$0x0], $0xffff  }
0x53: {  	v12 =	vld.idx.msk [tilespmem:v12+s4+$0x0], $0xffff  }
0x54: {  	v13 =	vld.idx.msk [tilespmem:v13+s4+$0x0], $0xffff  }
0x55: {  	v14 =	vld.idx.msk [tilespmem:v14+s4+$0x0], $0xffff  }
0x56: {  	v15 =	vld.idx.msk [tilespmem:v15+s4+$0x0], $0xffff  }
0x57: {  	v16 =	vld.idx.msk [tilespmem:v16+s4+$0x0], $0xffff;
	v0 =	vshll.u32 v0, $0x10;
	v1 =	vand.u32 $0xFFFF0000, v1  }
0x58: {  	v17 =	vld.idx.msk [tilespmem:v17+s4+$0x0], $0xffff;
	v0 =	vmul.f32 v1, v0;
	v1 =	vshll.u32 v3, $0x10;
	v3 =	vand.u32 $0xFFFF0000, v4  }
0x59: {  	s19 =	simm.s32 $0x1D800;
	v4 =	vld.idx.msk [tilespmem:v18+s4+$0x0], $0xffff;
	v1 =	vmul.f32 v3, v1;
	v3 =	vshll.u32 v5, $0x10;
	v5 =	vand.u32 $0xFFFF0000, v6  }
0x5a: {  	v6 =	vld.idx.msk [tilespmem:v19+s4+$0x0], $0xffff;
	[tilespmem:s19+$0x70] =	vst v0;
	v0 =	vmul.f32 v5, v3;
	v3 =	vshll.u32 v7, $0x10;
	v5 =	vand.u32 $0xFFFF0000, v8  }
0x5b: {  	v2 =	vand.u32 $0xFFFF0000, v2;
	v7 =	vld.idx.msk [tilespmem:v20+s4+$0x0], $0xffff;
	[tilespmem:s19+$0xFFFFFF10] =	vst v1;
	v1 =	vshll.u32 v31, $0x10;
	v3 =	vmul.f32 v5, v3  }
0x5c: {  	v8 =	vld.idx.msk [tilespmem:v22+s4+$0x0], $0xffff;
	[tilespmem:s19+$0xFFFFFF20] =	vst v0;
	v0 =	vmul.f32 v2, v1;
	v1 =	vshll.u32 v9, $0x10;
	v2 =	vand.u32 $0xFFFF0000, v10  }
0x5d: {  	v5 =	vld.idx.msk [tilespmem:v21+s4+$0x0], $0xffff;
	[tilespmem:s19+$0xFFFFFF30] =	vst v3;
	v1 =	vmul.f32 v2, v1;
	v2 =	vshll.u32 v11, $0x10;
	v3 =	vand.u32 $0xFFFF0000, v12  }
0x5e: {  	v9 =	vld.idx.msk [tilespmem:v23+s4+$0x0], $0xffff;
	[tilespmem:s19+$0xFFFFFF00] =	vst v0;
	v2 =	vmul.f32 v3, v2;
	v0 =	vshll.u32 v13, $0x10;
	v3 =	vand.u32 $0xFFFF0000, v14  }
0x5f: {  	v10 =	vld.idx.msk [tilespmem:v24+s4+$0x0], $0xffff;
	v11 =	vand.u32 $0xFFFF0000, v16;
	[tilespmem:s19+$0xFFFFFF40] =	vst v1;
	v3 =	vmul.f32 v3, v0;
	v1 =	vshll.u32 v15, $0x10  }
0x60: {  	v4 =	vand.u32 $0xFFFF0000, v4;
	v0 =	vld.idx.msk [tilespmem:v25+s4+$0x0], $0xffff;
	[tilespmem:s19+$0xFFFFFF50] =	vst v2;
	v11 =	vmul.f32 v11, v1;
	v2 =	vshll.u32 v17, $0x10  }
0x61: {  	v1 =	vld.idx.msk [tilespmem:v26+s4+$0x0], $0xffff;
	[tilespmem:s19+$0xFFFFFF60] =	vst v3;
	v4 =	vmul.f32 v4, v2;
	v3 =	vshll.u32 v6, $0x10;
	v6 =	vand.u32 $0xFFFF0000, v7  }
0x62: {  	v2 =	vld.idx.msk [tilespmem:v27+s4+$0x0], $0xffff;
	v6 =	vmul.f32 v6, v3  }
0x63: {  	v5 =	vshll.u32 v5, $0x10;
	v7 =	vand.u32 $0xFFFF0000, v8;
	v3 =	vld.idx.msk [tilespmem:v28+s4+$0x0], $0xffff;
	[tilespmem:s19+$0x0] =	vst v4  }
0x64: {  	s20 =	sshll.u32 s18, $0x6;
	v4 =	vld.idx.msk [tilespmem:v29+s4+$0x0], $0xffff;
	[tilespmem:s19+$0x10] =	vst v6;
	v6 =	vmul.f32 v7, v5  }
0x65: {  	s21 =	simm.s32 $0x0;
	s22 =	simm.s32 $0x18A00;
	s20 =	sor.u32 s5, s20;
	v8 =	vand.u32 $0xFFFF0000, v10;
	[tilespmem:s19+$0xFFFFFF70] =	vst v11;
	v7 =	vshll.u32 v9, $0x10;
	v5 =	vld.idx.msk [tilespmem:v30+s4+$0x0], $0xffff  }
.LBB2_3:
0x66: {  	v9 =	vld [tilespmem:s22+$0x70];
	[tilespmem:s19+$0x20] =	vst v6;
	v6 =	vmul.f32 v8, v7;
	v0 =	vshll.u32 v0, $0x10  }
0x67: {  	s21 =	sadd.s32 $0x10, s21;
	v1 =	vand.u32 $0xFFFF0000, v1;
	v7 =	vld [tilespmem:s22+$0xF0]  }
0x68: {  	p1 =	slt.u32 s21, $0x130;
	v0 =	vmul.f32 v1, v0;
	v1 =	vshll.u32 v2, $0x10;
	v8 =	vld [tilespmem:s22+$0xFFFFFF80];
	[tilespmem:s19+$0x30] =	vst v6  }
0x69: {  	v3 =	vand.u32 $0xFFFF0000, v3;
	v2 =	vld [tilespmem:s22+$0xFFFFFF10]  }
0x6a: {  	v6 =	vld [tilespmem:s22+$0xFFFFFF90];
	[tilespmem:s19+$0x40] =	vst v0;
	v0 =	vmul.f32 v3, v1;
	v1 =	vshll.u32 v4, $0x10  }
0x6b: {  	v4 =	vand.u32 $0xFFFF0000, v5;
	v3 =	vld [tilespmem:s22+$0xFFFFFF20]  }
0x6c: {  	v5 =	vld [tilespmem:s22+$0xFFFFFFA0];
	[tilespmem:s19+$0x50] =	vst v0;
	v0 =	vmul.f32 v4, v1  }
0x6d: {  	v1 =	vld [tilespmem:s22+$0xFFFFFF30]  }
0x6e: {  	v4 =	vld.idx.msk [tilespmem:v9+s4+$0x0], $0xffff;
	[tilespmem:s19+$0x60] =	vst v0  }
0x6f: {  	v0 =	vld.idx.msk [tilespmem:v7+s4+$0x0], $0xffff  }
0x70: {  	v7 =	vld [tilespmem:s22+$0xFFFFFFB0]  }
0x71: {  	v9 =	vld [tilespmem:s22+$0xFFFFFF40]  }
0x72: {  	v10 =	vld [tilespmem:s22+$0xFFFFFFC0]  }
0x73: {  	v11 =	vld [tilespmem:s22+$0xFFFFFF50]  }
0x74: {  	v12 =	vld [tilespmem:s22+$0xFFFFFFD0]  }
0x75: {  	v4 =	vshll.u32 v4, $0x10;
	v0 =	vand.u32 $0xFFFF0000, v0;
	v13 =	vld [tilespmem:s22+$0xFFFFFF60]  }
0x76: {  	v0 =	vmul.f32 v0, v4;
	v14 =	vld [tilespmem:s22+$0xFFFFFFE0]  }
0x77: {  	s19 =	sadd.s32 $0x200, s19;
	v4 =	vld [tilespmem:s22+$0xFFFFFF70]  }
0x78: {  	v15 =	vld [tilespmem:s22+$0xFFFFFFF0];
	[tilespmem:s19+$0x70] =	vst v0  }
0x79: {  	v0 =	vld [tilespmem:s22+$0x0]  }
0x7a: {  	v16 =	vld [tilespmem:s22+$0x80]  }
0x7b: {  	v17 =	vld [tilespmem:s22+$0x10]  }
0x7c: {  	v18 =	vld [tilespmem:s22+$0x90]  }
0x7d: {  	v19 =	vld [tilespmem:s22+$0x20]  }
0x7e: {  	v20 =	vld [tilespmem:s22+$0xA0]  }
0x7f: {  	v21 =	vld [tilespmem:s22+$0x30]  }
0x80: {  	v22 =	vld [tilespmem:s22+$0xB0]  }
0x81: {  	v23 =	vld [tilespmem:s22+$0x40]  }
0x82: {  	v24 =	vld [tilespmem:s22+$0xC0]  }
0x83: {  	v25 =	vld [tilespmem:s22+$0x50]  }
0x84: {  	v26 =	vld [tilespmem:s22+$0xD0]  }
0x85: {  	v27 =	vld [tilespmem:s22+$0x60]  }
0x86: {  	v28 =	vld [tilespmem:s22+$0xE0]  }
0x87: {  	v29 =	vld [tilespmem:s22+$0xFFFFFF00]  }
0x88: {  	v8 =	vld.idx.msk [tilespmem:v8+s4+$0x0], $0xffff  }
0x89: {  	v2 =	vld.idx.msk [tilespmem:v2+s4+$0x0], $0xffff  }
0x8a: {  	v6 =	vld.idx.msk [tilespmem:v6+s4+$0x0], $0xffff  }
0x8b: {  	v3 =	vld.idx.msk [tilespmem:v3+s4+$0x0], $0xffff  }
0x8c: {  	v5 =	vld.idx.msk [tilespmem:v5+s4+$0x0], $0xffff  }
0x8d: {  	v1 =	vld.idx.msk [tilespmem:v1+s4+$0x0], $0xffff  }
0x8e: {  	v8 =	vand.u32 $0xFFFF0000, v8;
	v7 =	vld.idx.msk [tilespmem:v7+s4+$0x0], $0xffff  }
0x8f: {  	v2 =	vshll.u32 v2, $0x10;
	v29 =	vld.idx.msk [tilespmem:v29+s4+$0x0], $0xffff  }
0x90: {  	v6 =	vand.u32 $0xFFFF0000, v6;
	v9 =	vld.idx.msk [tilespmem:v9+s4+$0x0], $0xffff  }
0x91: {  	v2 =	vmul.f32 v6, v2;
	v3 =	vshll.u32 v3, $0x10;
	v6 =	vld.idx.msk [tilespmem:v10+s4+$0x0], $0xffff  }
0x92: {  	v5 =	vand.u32 $0xFFFF0000, v5;
	v10 =	vld.idx.msk [tilespmem:v11+s4+$0x0], $0xffff  }
0x93: {  	v1 =	vshll.u32 v1, $0x10;
	[tilespmem:s19+$0xFFFFFF10] =	vst v2;
	v2 =	vmul.f32 v5, v3;
	v3 =	vld.idx.msk [tilespmem:v12+s4+$0x0], $0xffff  }
0x94: {  	v5 =	vand.u32 $0xFFFF0000, v7;
	v7 =	vld.idx.msk [tilespmem:v13+s4+$0x0], $0xffff  }
0x95: {  	v11 =	vshll.u32 v29, $0x10;
	v1 =	vmul.f32 v5, v1;
	[tilespmem:s19+$0xFFFFFF20] =	vst v2;
	v2 =	vld.idx.msk [tilespmem:v14+s4+$0x0], $0xffff  }
0x96: {  	v5 =	vmul.f32 v8, v11;
	v8 =	vshll.u32 v9, $0x10;
	v4 =	vld.idx.msk [tilespmem:v4+s4+$0x0], $0xffff  }
0x97: {  	[tilespmem:s19+$0xFFFFFF30] =	vst v1;
	v1 =	vand.u32 $0xFFFF0000, v6;
	v6 =	vld.idx.msk [tilespmem:v15+s4+$0x0], $0xffff  }
0x98: {  	[tilespmem:s19+$0xFFFFFF00] =	vst v5;
	v1 =	vmul.f32 v1, v8;
	v5 =	vshll.u32 v10, $0x10;
	v0 =	vld.idx.msk [tilespmem:v0+s4+$0x0], $0xffff  }
0x99: {  	v3 =	vand.u32 $0xFFFF0000, v3;
	v8 =	vld.idx.msk [tilespmem:v16+s4+$0x0], $0xffff  }
0x9a: {  	[tilespmem:s19+$0xFFFFFF40] =	vst v1;
	v1 =	vmul.f32 v3, v5;
	v3 =	vshll.u32 v7, $0x10;
	v5 =	vld.idx.msk [tilespmem:v17+s4+$0x0], $0xffff  }
0x9b: {  	v2 =	vand.u32 $0xFFFF0000, v2;
	v7 =	vld.idx.msk [tilespmem:v18+s4+$0x0], $0xffff  }
0x9c: {  	[tilespmem:s19+$0xFFFFFF50] =	vst v1;
	v1 =	vmul.f32 v2, v3;
	v2 =	vshll.u32 v4, $0x10;
	v3 =	vld.idx.msk [tilespmem:v19+s4+$0x0], $0xffff  }
0x9d: {  	v4 =	vand.u32 $0xFFFF0000, v6;
	v6 =	vld.idx.msk [tilespmem:v20+s4+$0x0], $0xffff  }
0x9e: {  	v0 =	vshll.u32 v0, $0x10;
	[tilespmem:s19+$0xFFFFFF60] =	vst v1;
	v1 =	vmul.f32 v4, v2;
	v4 =	vld.idx.msk [tilespmem:v21+s4+$0x0], $0xffff  }
0x9f: {  	v2 =	vand.u32 $0xFFFF0000, v8;
	v8 =	vld.idx.msk [tilespmem:v22+s4+$0x0], $0xffff  }
0xa0: {  	v2 =	vmul.f32 v2, v0;
	v5 =	vshll.u32 v5, $0x10;
	[tilespmem:s19+$0xFFFFFF70] =	vst v1;
	v0 =	vld.idx.msk [tilespmem:v23+s4+$0x0], $0xffff  }
.Ltmp4:
0xa1: {  	v7 =	vand.u32 $0xFFFF0000, v7;
	v1 =	vld.idx.msk [tilespmem:v24+s4+$0x0], $0xffff;
	(pc) =	sbr.rel @p1 .LBB2_3-.Ltmp4, $4  }
0xa2: {  	v5 =	vmul.f32 v7, v5;
	v7 =	vshll.u32 v3, $0x10;
	[tilespmem:s19+$0x0] =	vst v2;
	v2 =	vld.idx.msk [tilespmem:v25+s4+$0x0], $0xffff  }
0xa3: {  	v6 =	vand.u32 $0xFFFF0000, v6;
	v3 =	vld.idx.msk [tilespmem:v26+s4+$0x0], $0xffff  }
0xa4: {  	v6 =	vmul.f32 v6, v7;
	v7 =	vshll.u32 v4, $0x10;
	[tilespmem:s19+$0x10] =	vst v5;
	v4 =	vld.idx.msk [tilespmem:v27+s4+$0x0], $0xffff  }
0xa5: {  	s22 =	sadd.s32 $0x200, s22;
	v8 =	vand.u32 $0xFFFF0000, v8;
	v5 =	vld.idx.msk [tilespmem:v28+s4+$0x0], $0xffff  }
0xa6: {  	_ =	sdelay $0x1  }
0xa7: {  	v7 =	vmul.f32 v8, v7;
	v0 =	vshll.u32 v0, $0x10;
	v1 =	vand.u32 $0xFFFF0000, v1  }
0xa8: {  	[tilespmem:s19+$0x20] =	vst v6;
	v0 =	vmul.f32 v1, v0;
	v59 =	vshll.u32 v2, $0x10;
	v60 =	vand.u32 $0xFFFF0000, v3  }
0xa9: {  	s21 =	smul.u32 $0x280, s20;
	[tilespmem:s19+$0x30] =	vst v7;
	v1 =	vmul.f32 v60, v59;
	v61 =	vshll.u32 v4, $0x10;
	v62 =	vand.u32 $0xFFFF0000, v5  }
0xaa: {  	[tilespmem:s19+$0x40] =	vst v0;
	v63 =	vmul.f32 v62, v61  }
0xab: {  	s23 =	simm.s32 $0x1D800;
	s22 =	sadd.s32 s3, s21;
	[tilespmem:s19+$0x50] =	vst v1  }
0xac: {  	s21 =	simm.s32 $0x1D700;
	s24 =	sadd.s32 $0x0, s22;
	[tilespmem:s19+$0x60] =	vst v63;
	s19 =	simm.s32 $0x10  }
.LBB2_5:
0xad: {  	[hbm4b:s24+s4] =	stream.linear.scatter [tilespmem:s21], [sflag:$0x3], $0x80, $0x38;
	[tilespmem:$0x1FF00] =	vst v63  }
0xae: {  	s24 =	smov.u32 s19;
	s21 =	smov.u32 s23;
	p1 =	sne.s32 s19, $0x270  }
.Ltmp5:
0xaf: {  	s19 =	sadd.s32 $0x10, s19;
	(pc) =	sbr.rel @p1 .LBB2_5-.Ltmp5, $2  }
0xb0: {  	_ =	sdelay $0x2  }
0xb1: {  	s23 =	sadd.s32 $0x100, s23;
	s24 =	sadd.s32 s24, s22  }
0xb2: {  	p1 =	sgt.u32 s20, $0x4A1  }
0xb3: {  	s19 =	smul.u32 @!p1 $0x2800, s20  }
0xb4: {  	[hbm4b:s24+s4] =	stream.linear.scatter [tilespmem:s21], [sflag:$0x3], $0x80, $0x38;
	[tilespmem:$0x1FF00] =	vst v63  }
0xb5: {  	s19 =	sshrl.u32 @!p1 s19, $0x3  }
0xb6: {  	s19 =	sadd.s32 @!p1 s2, s19  }
0xb7: {  	s21 =	simm.s32 @!p1 $0x0;
	s22 =	simm.s32 @!p1 $0x18700;
	s19 =	sadd.s32 @!p1 $0x14000, s19  }
0xb8: {  	[tilespmem:s22], [sflag:$0x1] =	stream.linear.gather @!p1 [hbm4b:s19+s21], $0x2800, $0x38;
	[tilespmem:$0x1FF00] =	vst v63  }
0xb9: {  	s19 =	sor.u32 $0x20, s20  }
0xba: {  	p1 =	sgt.u32 s19, $0x4E1  }
.Ltmp6:
0xbb: {  	_ = 	snop;
	(pc) =	sbr.rel @p1 .LBB2_12-.Ltmp6, $1  }
0xbc: {  	_ =	sdelay $0x3  }
0xbd: {  	_ =	swait.ge [sflag:s14], $0x2800  }
0xbe: {  	[sflag:s14] =	ssyncset.done $0x0  }
0xbf: {  	s20 =	simm.s32 @!p0 $0x4;
	[sflag:s14] =	ssyncadd.s32 $0xFFFFD800  }
0xc0: {  	_ =	swait.ge @!p0 [sflag:s20], $0x1400  }
0xc1: {  	[sflag:s20] =	ssyncset.done @!p0 $0x0  }
0xc2: {  	s31 =	simm.s32 $0x1B0F0;
	[sflag:s20] =	ssyncadd.s32 @!p0 $0xFFFFEC00  }
0xc3: {  	v0 =	vld [tilespmem:s31+$0xFFFFFF80]  }
0xc4: {  	v1 =	vld [tilespmem:s31+$0x0]  }
0xc5: {  	v2 =	vld [tilespmem:s31+$0xFFFFFE90]  }
0xc6: {  	v3 =	vld [tilespmem:s31+$0xFFFFFE20]  }
0xc7: {  	v4 =	vld [tilespmem:s31+$0xFFFFFEA0]  }
0xc8: {  	v5 =	vld [tilespmem:s31+$0xFFFFFE30]  }
0xc9: {  	v6 =	vld [tilespmem:s31+$0xFFFFFEB0]  }
0xca: {  	v7 =	vld [tilespmem:s31+$0xFFFFFE40]  }
0xcb: {  	v8 =	vld [tilespmem:s31+$0xFFFFFEC0]  }
0xcc: {  	v9 =	vld [tilespmem:s31+$0xFFFFFE50]  }
0xcd: {  	v10 =	vld [tilespmem:s31+$0xFFFFFED0]  }
0xce: {  	v11 =	vld [tilespmem:s31+$0xFFFFFE60]  }
0xcf: {  	v12 =	vld [tilespmem:s31+$0xFFFFFEE0]  }
0xd0: {  	v13 =	vld [tilespmem:s31+$0xFFFFFE70]  }
0xd1: {  	v14 =	vld [tilespmem:s31+$0xFFFFFEF0]  }
0xd2: {  	v15 =	vld [tilespmem:s31+$0xFFFFFE80]  }
0xd3: {  	v16 =	vld [tilespmem:s31+$0xFFFFFF00]  }
0xd4: {  	v17 =	vld [tilespmem:s31+$0xFFFFFF10]  }
0xd5: {  	v18 =	vld [tilespmem:s31+$0xFFFFFF90]  }
0xd6: {  	v19 =	vld [tilespmem:s31+$0xFFFFFF20]  }
0xd7: {  	v20 =	vld [tilespmem:s31+$0xFFFFFFA0]  }
0xd8: {  	v21 =	vld [tilespmem:s31+$0xFFFFFF30]  }
0xd9: {  	v22 =	vld [tilespmem:s31+$0xFFFFFFB0]  }
0xda: {  	v23 =	vld [tilespmem:s31+$0xFFFFFF40]  }
0xdb: {  	v24 =	vld [tilespmem:s31+$0xFFFFFFC0]  }
0xdc: {  	v25 =	vld [tilespmem:s31+$0xFFFFFF50]  }
0xdd: {  	v26 =	vld [tilespmem:s31+$0xFFFFFFD0]  }
0xde: {  	v27 =	vld [tilespmem:s31+$0xFFFFFF60]  }
0xdf: {  	v28 =	vld [tilespmem:s31+$0xFFFFFFE0]  }
0xe0: {  	v29 =	vld [tilespmem:s31+$0xFFFFFF70]  }
0xe1: {  	v30 =	vld [tilespmem:s31+$0xFFFFFFF0]  }
0xe2: {  	v31 =	vld [tilespmem:s31+$0xFFFFFE10]  }
0xe3: {  	v0 =	vld.idx.msk [tilespmem:v0+s4+$0x0], $0xffff  }
0xe4: {  	v1 =	vld.idx.msk [tilespmem:v1+s4+$0x0], $0xffff  }
0xe5: {  	v2 =	vld.idx.msk [tilespmem:v2+s4+$0x0], $0xffff  }
0xe6: {  	v3 =	vld.idx.msk [tilespmem:v3+s4+$0x0], $0xffff  }
0xe7: {  	v4 =	vld.idx.msk [tilespmem:v4+s4+$0x0], $0xffff  }
0xe8: {  	v5 =	vld.idx.msk [tilespmem:v5+s4+$0x0], $0xffff  }
0xe9: {  	v6 =	vld.idx.msk [tilespmem:v6+s4+$0x0], $0xffff  }
0xea: {  	v7 =	vld.idx.msk [tilespmem:v7+s4+$0x0], $0xffff  }
0xeb: {  	v8 =	vld.idx.msk [tilespmem:v8+s4+$0x0], $0xffff  }
0xec: {  	v31 =	vld.idx.msk [tilespmem:v31+s4+$0x0], $0xffff  }
0xed: {  	v9 =	vld.idx.msk [tilespmem:v9+s4+$0x0], $0xffff  }
0xee: {  	v10 =	vld.idx.msk [tilespmem:v10+s4+$0x0], $0xffff  }
0xef: {  	v11 =	vld.idx.msk [tilespmem:v11+s4+$0x0], $0xffff  }
0xf0: {  	v12 =	vld.idx.msk [tilespmem:v12+s4+$0x0], $0xffff  }
0xf1: {  	v13 =	vld.idx.msk [tilespmem:v13+s4+$0x0], $0xffff  }
0xf2: {  	v14 =	vld.idx.msk [tilespmem:v14+s4+$0x0], $0xffff  }
0xf3: {  	v15 =	vld.idx.msk [tilespmem:v15+s4+$0x0], $0xffff  }
0xf4: {  	v16 =	vld.idx.msk [tilespmem:v16+s4+$0x0], $0xffff;
	v0 =	vshll.u32 v0, $0x10;
	v1 =	vand.u32 $0xFFFF0000, v1  }
0xf5: {  	v17 =	vld.idx.msk [tilespmem:v17+s4+$0x0], $0xffff;
	v0 =	vmul.f32 v1, v0;
	v1 =	vshll.u32 v3, $0x10;
	v3 =	vand.u32 $0xFFFF0000, v4  }
0xf6: {  	s20 =	simm.s32 $0x1D880;
	v4 =	vld.idx.msk [tilespmem:v18+s4+$0x0], $0xffff;
	v1 =	vmul.f32 v3, v1;
	v3 =	vshll.u32 v5, $0x10;
	v5 =	vand.u32 $0xFFFF0000, v6  }
0xf7: {  	v6 =	vld.idx.msk [tilespmem:v19+s4+$0x0], $0xffff;
	[tilespmem:s20+$0x70] =	vst v0;
	v0 =	vmul.f32 v5, v3;
	v3 =	vshll.u32 v7, $0x10;
	v5 =	vand.u32 $0xFFFF0000, v8  }
0xf8: {  	v2 =	vand.u32 $0xFFFF0000, v2;
	v7 =	vld.idx.msk [tilespmem:v20+s4+$0x0], $0xffff;
	[tilespmem:s20+$0xFFFFFF10] =	vst v1;
	v1 =	vshll.u32 v31, $0x10;
	v3 =	vmul.f32 v5, v3  }
0xf9: {  	v8 =	vld.idx.msk [tilespmem:v22+s4+$0x0], $0xffff;
	[tilespmem:s20+$0xFFFFFF20] =	vst v0;
	v0 =	vmul.f32 v2, v1;
	v1 =	vshll.u32 v9, $0x10;
	v2 =	vand.u32 $0xFFFF0000, v10  }
0xfa: {  	v5 =	vld.idx.msk [tilespmem:v21+s4+$0x0], $0xffff;
	[tilespmem:s20+$0xFFFFFF30] =	vst v3;
	v1 =	vmul.f32 v2, v1;
	v2 =	vshll.u32 v11, $0x10;
	v3 =	vand.u32 $0xFFFF0000, v12  }
0xfb: {  	v9 =	vld.idx.msk [tilespmem:v23+s4+$0x0], $0xffff;
	[tilespmem:s20+$0xFFFFFF00] =	vst v0;
	v2 =	vmul.f32 v3, v2;
	v0 =	vshll.u32 v13, $0x10;
	v3 =	vand.u32 $0xFFFF0000, v14  }
0xfc: {  	v10 =	vld.idx.msk [tilespmem:v24+s4+$0x0], $0xffff;
	v11 =	vand.u32 $0xFFFF0000, v16;
	[tilespmem:s20+$0xFFFFFF40] =	vst v1;
	v3 =	vmul.f32 v3, v0;
	v1 =	vshll.u32 v15, $0x10  }
0xfd: {  	v4 =	vand.u32 $0xFFFF0000, v4;
	v0 =	vld.idx.msk [tilespmem:v25+s4+$0x0], $0xffff;
	[tilespmem:s20+$0xFFFFFF50] =	vst v2;
	v11 =	vmul.f32 v11, v1;
	v2 =	vshll.u32 v17, $0x10  }
0xfe: {  	v1 =	vld.idx.msk [tilespmem:v26+s4+$0x0], $0xffff;
	[tilespmem:s20+$0xFFFFFF60] =	vst v3;
	v4 =	vmul.f32 v4, v2;
	v3 =	vshll.u32 v6, $0x10;
	v6 =	vand.u32 $0xFFFF0000, v7  }
0xff: {  	v2 =	vld.idx.msk [tilespmem:v27+s4+$0x0], $0xffff;
	v6 =	vmul.f32 v6, v3  }
0x100: {  	v5 =	vshll.u32 v5, $0x10;
	v7 =	vand.u32 $0xFFFF0000, v8;
	v3 =	vld.idx.msk [tilespmem:v28+s4+$0x0], $0xffff;
	[tilespmem:s20+$0x0] =	vst v4  }
0x101: {  	v4 =	vld.idx.msk [tilespmem:v29+s4+$0x0], $0xffff;
	[tilespmem:s20+$0x10] =	vst v6;
	v6 =	vmul.f32 v7, v5  }
0x102: {  	s21 =	simm.s32 $0x0;
	s22 =	simm.s32 $0x1B2F0;
	v8 =	vand.u32 $0xFFFF0000, v10;
	[tilespmem:s20+$0xFFFFFF70] =	vst v11;
	v7 =	vshll.u32 v9, $0x10;
	v5 =	vld.idx.msk [tilespmem:v30+s4+$0x0], $0xffff  }
.LBB2_8:
0x103: {  	v9 =	vld [tilespmem:s22+$0xFFFFFF80];
	[tilespmem:s20+$0x20] =	vst v6;
	v6 =	vmul.f32 v8, v7;
	v0 =	vshll.u32 v0, $0x10  }
0x104: {  	s21 =	sadd.s32 $0x10, s21;
	v1 =	vand.u32 $0xFFFF0000, v1;
	v7 =	vld [tilespmem:s22+$0x0]  }
0x105: {  	p0 =	slt.u32 s21, $0x130;
	v0 =	vmul.f32 v1, v0;
	v1 =	vshll.u32 v2, $0x10;
	v8 =	vld [tilespmem:s22+$0xFFFFFE90];
	[tilespmem:s20+$0x30] =	vst v6  }
0x106: {  	v3 =	vand.u32 $0xFFFF0000, v3;
	v2 =	vld [tilespmem:s22+$0xFFFFFE20]  }
0x107: {  	v6 =	vld [tilespmem:s22+$0xFFFFFEA0];
	[tilespmem:s20+$0x40] =	vst v0;
	v0 =	vmul.f32 v3, v1;
	v1 =	vshll.u32 v4, $0x10  }
0x108: {  	v4 =	vand.u32 $0xFFFF0000, v5;
	v3 =	vld [tilespmem:s22+$0xFFFFFE30]  }
0x109: {  	v5 =	vld [tilespmem:s22+$0xFFFFFEB0];
	[tilespmem:s20+$0x50] =	vst v0;
	v0 =	vmul.f32 v4, v1  }
0x10a: {  	v1 =	vld [tilespmem:s22+$0xFFFFFE40]  }
0x10b: {  	v4 =	vld.idx.msk [tilespmem:v9+s4+$0x0], $0xffff;
	[tilespmem:s20+$0x60] =	vst v0  }
0x10c: {  	v0 =	vld.idx.msk [tilespmem:v7+s4+$0x0], $0xffff  }
0x10d: {  	v7 =	vld [tilespmem:s22+$0xFFFFFEC0]  }
0x10e: {  	v9 =	vld [tilespmem:s22+$0xFFFFFE50]  }
0x10f: {  	v10 =	vld [tilespmem:s22+$0xFFFFFED0]  }
0x110: {  	v11 =	vld [tilespmem:s22+$0xFFFFFE60]  }
0x111: {  	v12 =	vld [tilespmem:s22+$0xFFFFFEE0]  }
0x112: {  	v4 =	vshll.u32 v4, $0x10;
	v0 =	vand.u32 $0xFFFF0000, v0;
	v13 =	vld [tilespmem:s22+$0xFFFFFE70]  }
0x113: {  	v0 =	vmul.f32 v0, v4;
	v14 =	vld [tilespmem:s22+$0xFFFFFEF0]  }
0x114: {  	s20 =	sadd.s32 $0x200, s20;
	v4 =	vld [tilespmem:s22+$0xFFFFFE80]  }
0x115: {  	v15 =	vld [tilespmem:s22+$0xFFFFFF00];
	[tilespmem:s20+$0x70] =	vst v0  }
0x116: {  	v0 =	vld [tilespmem:s22+$0xFFFFFF10]  }
0x117: {  	v16 =	vld [tilespmem:s22+$0xFFFFFF90]  }
0x118: {  	v17 =	vld [tilespmem:s22+$0xFFFFFF20]  }
0x119: {  	v18 =	vld [tilespmem:s22+$0xFFFFFFA0]  }
0x11a: {  	v19 =	vld [tilespmem:s22+$0xFFFFFF30]  }
0x11b: {  	v20 =	vld [tilespmem:s22+$0xFFFFFFB0]  }
0x11c: {  	v21 =	vld [tilespmem:s22+$0xFFFFFF40]  }
0x11d: {  	v22 =	vld [tilespmem:s22+$0xFFFFFFC0]  }
0x11e: {  	v23 =	vld [tilespmem:s22+$0xFFFFFF50]  }
0x11f: {  	v24 =	vld [tilespmem:s22+$0xFFFFFFD0]  }
0x120: {  	v25 =	vld [tilespmem:s22+$0xFFFFFF60]  }
0x121: {  	v26 =	vld [tilespmem:s22+$0xFFFFFFE0]  }
0x122: {  	v27 =	vld [tilespmem:s22+$0xFFFFFF70]  }
0x123: {  	v28 =	vld [tilespmem:s22+$0xFFFFFFF0]  }
0x124: {  	v29 =	vld [tilespmem:s22+$0xFFFFFE10]  }
0x125: {  	v8 =	vld.idx.msk [tilespmem:v8+s4+$0x0], $0xffff  }
0x126: {  	v2 =	vld.idx.msk [tilespmem:v2+s4+$0x0], $0xffff  }
0x127: {  	v6 =	vld.idx.msk [tilespmem:v6+s4+$0x0], $0xffff  }
0x128: {  	v3 =	vld.idx.msk [tilespmem:v3+s4+$0x0], $0xffff  }
0x129: {  	v5 =	vld.idx.msk [tilespmem:v5+s4+$0x0], $0xffff  }
0x12a: {  	v1 =	vld.idx.msk [tilespmem:v1+s4+$0x0], $0xffff  }
0x12b: {  	v8 =	vand.u32 $0xFFFF0000, v8;
	v7 =	vld.idx.msk [tilespmem:v7+s4+$0x0], $0xffff  }
0x12c: {  	v2 =	vshll.u32 v2, $0x10;
	v29 =	vld.idx.msk [tilespmem:v29+s4+$0x0], $0xffff  }
0x12d: {  	v6 =	vand.u32 $0xFFFF0000, v6;
	v9 =	vld.idx.msk [tilespmem:v9+s4+$0x0], $0xffff  }
0x12e: {  	v2 =	vmul.f32 v6, v2;
	v3 =	vshll.u32 v3, $0x10;
	v6 =	vld.idx.msk [tilespmem:v10+s4+$0x0], $0xffff  }
0x12f: {  	v5 =	vand.u32 $0xFFFF0000, v5;
	v10 =	vld.idx.msk [tilespmem:v11+s4+$0x0], $0xffff  }
0x130: {  	v1 =	vshll.u32 v1, $0x10;
	[tilespmem:s20+$0xFFFFFF10] =	vst v2;
	v2 =	vmul.f32 v5, v3;
	v3 =	vld.idx.msk [tilespmem:v12+s4+$0x0], $0xffff  }
0x131: {  	v5 =	vand.u32 $0xFFFF0000, v7;
	v7 =	vld.idx.msk [tilespmem:v13+s4+$0x0], $0xffff  }
0x132: {  	v11 =	vshll.u32 v29, $0x10;
	v1 =	vmul.f32 v5, v1;
	[tilespmem:s20+$0xFFFFFF20] =	vst v2;
	v2 =	vld.idx.msk [tilespmem:v14+s4+$0x0], $0xffff  }
0x133: {  	v5 =	vmul.f32 v8, v11;
	v8 =	vshll.u32 v9, $0x10;
	v4 =	vld.idx.msk [tilespmem:v4+s4+$0x0], $0xffff  }
0x134: {  	[tilespmem:s20+$0xFFFFFF30] =	vst v1;
	v1 =	vand.u32 $0xFFFF0000, v6;
	v6 =	vld.idx.msk [tilespmem:v15+s4+$0x0], $0xffff  }
0x135: {  	[tilespmem:s20+$0xFFFFFF00] =	vst v5;
	v1 =	vmul.f32 v1, v8;
	v5 =	vshll.u32 v10, $0x10;
	v0 =	vld.idx.msk [tilespmem:v0+s4+$0x0], $0xffff  }
0x136: {  	v3 =	vand.u32 $0xFFFF0000, v3;
	v8 =	vld.idx.msk [tilespmem:v16+s4+$0x0], $0xffff  }
0x137: {  	[tilespmem:s20+$0xFFFFFF40] =	vst v1;
	v1 =	vmul.f32 v3, v5;
	v3 =	vshll.u32 v7, $0x10;
	v5 =	vld.idx.msk [tilespmem:v17+s4+$0x0], $0xffff  }
0x138: {  	v2 =	vand.u32 $0xFFFF0000, v2;
	v7 =	vld.idx.msk [tilespmem:v18+s4+$0x0], $0xffff  }
0x139: {  	[tilespmem:s20+$0xFFFFFF50] =	vst v1;
	v1 =	vmul.f32 v2, v3;
	v2 =	vshll.u32 v4, $0x10;
	v3 =	vld.idx.msk [tilespmem:v19+s4+$0x0], $0xffff  }
0x13a: {  	v4 =	vand.u32 $0xFFFF0000, v6;
	v6 =	vld.idx.msk [tilespmem:v20+s4+$0x0], $0xffff  }
0x13b: {  	v0 =	vshll.u32 v0, $0x10;
	[tilespmem:s20+$0xFFFFFF60] =	vst v1;
	v1 =	vmul.f32 v4, v2;
	v4 =	vld.idx.msk [tilespmem:v21+s4+$0x0], $0xffff  }
0x13c: {  	v2 =	vand.u32 $0xFFFF0000, v8;
	v8 =	vld.idx.msk [tilespmem:v22+s4+$0x0], $0xffff  }
0x13d: {  	v2 =	vmul.f32 v2, v0;
	v5 =	vshll.u32 v5, $0x10;
	[tilespmem:s20+$0xFFFFFF70] =	vst v1;
	v0 =	vld.idx.msk [tilespmem:v23+s4+$0x0], $0xffff  }
.Ltmp7:
0x13e: {  	v7 =	vand.u32 $0xFFFF0000, v7;
	v1 =	vld.idx.msk [tilespmem:v24+s4+$0x0], $0xffff;
	(pc) =	sbr.rel @p0 .LBB2_8-.Ltmp7, $4  }
0x13f: {  	v5 =	vmul.f32 v7, v5;
	v7 =	vshll.u32 v3, $0x10;
	[tilespmem:s20+$0x0] =	vst v2;
	v2 =	vld.idx.msk [tilespmem:v25+s4+$0x0], $0xffff  }
0x140: {  	v6 =	vand.u32 $0xFFFF0000, v6;
	v3 =	vld.idx.msk [tilespmem:v26+s4+$0x0], $0xffff  }
0x141: {  	v6 =	vmul.f32 v6, v7;
	v7 =	vshll.u32 v4, $0x10;
	[tilespmem:s20+$0x10] =	vst v5;
	v4 =	vld.idx.msk [tilespmem:v27+s4+$0x0], $0xffff  }
0x142: {  	s22 =	sadd.s32 $0x200, s22;
	v8 =	vand.u32 $0xFFFF0000, v8;
	v5 =	vld.idx.msk [tilespmem:v28+s4+$0x0], $0xffff  }
0x143: {  	_ =	sdelay $0x1  }
0x144: {  	v7 =	vmul.f32 v8, v7;
	v0 =	vshll.u32 v0, $0x10;
	v1 =	vand.u32 $0xFFFF0000, v1  }
0x145: {  	[tilespmem:s20+$0x20] =	vst v6;
	v0 =	vmul.f32 v1, v0;
	v59 =	vshll.u32 v2, $0x10;
	v60 =	vand.u32 $0xFFFF0000, v3  }
0x146: {  	s21 =	smul.u32 $0x280, s19;
	[tilespmem:s20+$0x30] =	vst v7;
	v1 =	vmul.f32 v60, v59;
	v61 =	vshll.u32 v4, $0x10;
	v62 =	vand.u32 $0xFFFF0000, v5  }
0x147: {  	[tilespmem:s20+$0x40] =	vst v0;
	v63 =	vmul.f32 v62, v61  }
0x148: {  	s23 =	simm.s32 $0x1D880;
	s22 =	sadd.s32 s3, s21;
	[tilespmem:s20+$0x50] =	vst v1  }
0x149: {  	s21 =	simm.s32 $0x1D780;
	s24 =	sadd.s32 $0x0, s22;
	[tilespmem:s20+$0x60] =	vst v63;
	s20 =	simm.s32 $0x10  }
.LBB2_10:
0x14a: {  	[hbm4b:s24+s4] =	stream.linear.scatter [tilespmem:s21], [sflag:$0x4], $0x80, $0x38;
	[tilespmem:$0x1FF00] =	vst v63  }
0x14b: {  	s24 =	smov.u32 s20;
	s21 =	smov.u32 s23;
	p0 =	sne.s32 s20, $0x270  }
.Ltmp8:
0x14c: {  	s20 =	sadd.s32 $0x10, s20;
	(pc) =	sbr.rel @p0 .LBB2_10-.Ltmp8, $2  }
0x14d: {  	_ =	sdelay $0x2  }
0x14e: {  	s23 =	sadd.s32 $0x100, s23;
	s24 =	sadd.s32 s24, s22  }
0x14f: {  	p0 =	sgt.u32 s19, $0x4A1  }
0x150: {  	[hbm4b:s24+s4] =	stream.linear.scatter [tilespmem:s21], [sflag:$0x4], $0x80, $0x38;
	[tilespmem:$0x1FF00] =	vst v63  }
0x151: {  	s19 =	smul.u32 @!p0 $0x2800, s19  }
.Ltmp9:
0x152: {  	_ = 	snop;
	(pc) =	sbr.rel .LBB2_12-.Ltmp9, $4  }
0x153: {  	s19 =	sshrl.u32 @!p0 s19, $0x3  }
0x154: {  	s19 =	sadd.s32 @!p0 s2, s19  }
0x155: {  	s20 =	simm.s32 @!p0 $0x0;
	s21 =	simm.s32 @!p0 $0x1AF00;
	s19 =	sadd.s32 @!p0 $0x14000, s19  }
0x156: {  	[tilespmem:s21], [sflag:$0x2] =	stream.linear.gather @!p0 [hbm4b:s19+s20], $0x2800, $0x38;
	[tilespmem:$0x1FF00] =	vst v63  }
.LBB2_14:
0x157: {  	_ =	sfence.sel $0x180000  }
0x158: {  	[bflag:$0x0] =	sbarrier.arrive $0xFFFF  }
0x159: {  	p0 =	sne.s32 s0, $0x0;
	_ =	strace $0x90000047  }
0x15a: {  	s0 =	sadd.s32 @!p0 $0x100000, s1;
	[bflag:$0x2] =	sbarrier.arrive $0xFFFF  }
0x15b: {  	[sflag:s0] =	ssyncadd.tile.s32 @!p0 $0x1;
	_ =	shalt  }
.Lfunc_end2:
_tile_overlayer_lowered:
.L_overlay_start_2:
0x15c: {  	(tag) =	ssettag $0x2  }
0x15d: {  	s0 =	rddreg [dreg:$0x0];
	s2 =	stileid.u32  }
0x15e: {  	s1 =	rddreg [dreg:$0x1];
	p0 =	sne.s32 s2, $0x0  }
0x15f: {  	s3 =	rddreg [dreg:$0x2];
	[bflag:$0x3] =	sbarrier.arrive $0xFFFF;
	s2 =	simm.s32 @!p0 $0x1C05  }
0x160: {  	[timem:s3], [sflag:s2] =	dma.local @!p0 [hbm:s0], s1  }
0x161: {  	s0 =	simm.s32 @!p0 $0x5  }
0x162: {  	_ =	swait.ge @!p0 [sflag:s0], s1  }
0x163: {  	s1 =	ssub.s32 @!p0 $0x0, s1;
	[sflag:s0] =	ssyncset.done @!p0 $0x0  }
0x164: {  	[sflag:s0] =	ssyncadd.s32 @!p0 s1  }
0x165: {  	[bflag:$0x3] =	sbarrier.arrive $0xFFFF  }
0x166: {  	_ =	shalt  }

</sc_bundles>
